<compile_context>
chip_gen: v7x
topology: tpu7x:2x2x1
jax: 0.10.2.dev20260603
libtpu: 0.0.44.dev20260713+nightly
codegen_flags: <defaults>
</compile_context>

<pallas_src>
import jax
import jax.numpy as jnp
from jax import lax
from jax.experimental import pallas as pl
from jax.experimental.pallas import tpu as pltpu
from jax.experimental.pallas import tpu_sc as plsc

_N = 10000
_H = 128
_T = 4
_E = 320000

_NC = 2
_NS = 16
_NW = _NC * _NS
_K = 80
_NBUF = 4
_D = 3
_IDXB = 8
_CHUNKS = 128
_NIB = _CHUNKS // _IDXB
_EPW = _CHUNKS * _K
_AGG_ROWS = 10112
_RPT = _AGG_ROWS // _NS
_DUMMY_DST = _N + 8


def _msg_table(node_states, lin_w, lin_b):

    def body(x_ref, w_ref, b_ref, o_ref):
        x = x_ref[...]
        for t in range(_T):
            y = lax.dot_general(x, w_ref[t], (((1,), (1,)), ((), ())),
                                preferred_element_type=jnp.float32)
            o_ref[t] = y + b_ref[t]

    return pl.pallas_call(
        body,
        grid=(5,),
        in_specs=[
            pl.BlockSpec((2000, _H), lambda i: (i, 0)),
            pl.BlockSpec((_T, _H, _H), lambda i: (0, 0, 0)),
            pl.BlockSpec((_T, 1, _H), lambda i: (0, 0, 0)),
        ],
        out_specs=pl.BlockSpec((_T, 2000, _H), lambda i: (0, i, 0)),
        out_shape=jax.ShapeDtypeStruct((_T, _N, _H), jnp.float32),
    )(node_states, lin_w, lin_b.reshape(_T, 1, _H))


def _sc_body(table, gidx, didx, zeros, out, gidx_v, didx_v, rows_v, agg_sh,
             sem_g, sem_s, sem_ig, sem_id):
    cid = lax.axis_index("c")
    sid = lax.axis_index("s")
    wid = sid * _NC + cid
    base = sid * _RPT

    pltpu.sync_copy(zeros, agg_sh.at[pl.ds(base, _RPT)])
    plsc.subcore_barrier()

    pltpu.async_copy(gidx.at[wid, pl.ds(0, _IDXB)], gidx_v.at[0], sem_ig)
    pltpu.async_copy(didx.at[wid, pl.ds(0, _IDXB)], didx_v.at[0], sem_id)

    def _chunk(j, carry):
        blk = lax.div(j, _IDXB)
        jj = lax.rem(j, _IDXB)
        p = lax.rem(blk, 4)
        b = lax.rem(j, _NBUF)

        @pl.when(jj == 0)
        def _wait_idx():
            pltpu.make_async_copy(gidx.at[wid, pl.ds(0, _IDXB)],
                                  gidx_v.at[p], sem_ig).wait()
            pltpu.make_async_copy(didx.at[wid, pl.ds(0, _IDXB)],
                                  didx_v.at[p], sem_id).wait()

        @pl.when(j >= _D)
        def _scatter_prev():
            jm = j - _D
            pm = lax.rem(lax.div(jm, _IDXB), 4)
            jjm = lax.rem(jm, _IDXB)
            bm = lax.rem(jm, _NBUF)
            pltpu.make_async_copy(table.at[gidx_v.at[pm, jjm]],
                                  rows_v.at[bm], sem_g.at[bm]).wait()
            pltpu.async_copy(rows_v.at[bm], agg_sh.at[didx_v.at[pm, jjm]],
                             sem_s.at[bm], add=True)

        @pl.when((jj == 0) & (blk + 1 < _NIB))
        def _prefetch():
            pn = lax.rem(blk + 1, 4)
            nxt = (blk + 1) * _IDXB
            pltpu.async_copy(gidx.at[wid, pl.ds(nxt, _IDXB)],
                             gidx_v.at[pn], sem_ig)
            pltpu.async_copy(didx.at[wid, pl.ds(nxt, _IDXB)],
                             didx_v.at[pn], sem_id)

        @pl.when(j >= _NBUF)
        def _drain():
            pltpu.make_async_copy(table.at[pl.ds(0, _K)],
                                  rows_v.at[b], sem_s.at[b]).wait()

        pltpu.async_copy(table.at[gidx_v.at[p, jj]], rows_v.at[b],
                         sem_g.at[b])
        return carry

    lax.fori_loop(0, _CHUNKS, _chunk, 0)

    for jm in range(_CHUNKS - _D, _CHUNKS):
        pm, jjm, bm = (jm // _IDXB) % 4, jm % _IDXB, jm % _NBUF
        pltpu.make_async_copy(table.at[gidx_v.at[pm, jjm]],
                              rows_v.at[bm], sem_g.at[bm]).wait()
        pltpu.async_copy(rows_v.at[bm], agg_sh.at[didx_v.at[pm, jjm]],
                         sem_s.at[bm], add=True)
    for b in range(_NBUF):
        pltpu.make_async_copy(table.at[pl.ds(0, _K)],
                              rows_v.at[b], sem_s.at[b]).wait()
    plsc.subcore_barrier()

    pltpu.sync_copy(agg_sh.at[pl.ds(base, _RPT)],
                    out.at[cid, pl.ds(base, _RPT)])


def _sc_scatter(table, gidx, didx, zeros):
    mesh = plsc.VectorSubcoreMesh(core_axis_name="c", subcore_axis_name="s",
                                  num_cores=_NC, num_subcores=_NS)
    run = pl.kernel(
        _sc_body,
        out_type=jax.ShapeDtypeStruct((_NC, _AGG_ROWS, _H), jnp.float32),
        mesh=mesh,
        scratch_types=[
            pltpu.VMEM((4, _IDXB, _K), jnp.int32),
            pltpu.VMEM((4, _IDXB, _K), jnp.int32),
            pltpu.VMEM((_NBUF, _K, _H), jnp.float32),
            pltpu.VMEM_SHARED((_AGG_ROWS, _H), jnp.float32),
            pltpu.SemaphoreType.DMA((_NBUF,)),
            pltpu.SemaphoreType.DMA((_NBUF,)),
            pltpu.SemaphoreType.DMA,
            pltpu.SemaphoreType.DMA,
        ],
    )
    return run(table, gidx, didx, zeros)


def _gru(parts, node_states, w_ih, w_hh, b_ih, b_hh):
    def body(p_ref, x_ref, wih_ref, whh_ref, bih_ref, bhh_ref, o_ref):
        agg = p_ref[0] + p_ref[1]
        x = x_ref[...]
        gi = lax.dot_general(agg, wih_ref[...], (((1,), (1,)), ((), ())),
                             preferred_element_type=jnp.float32)
        gi = gi + bih_ref[0]
        gh = lax.dot_general(x, whh_ref[...], (((1,), (1,)), ((), ())),
                             preferred_element_type=jnp.float32)
        gh = gh + bhh_ref[0]
        r = jax.nn.sigmoid(gi[:, 0:_H] + gh[:, 0:_H])
        z = jax.nn.sigmoid(gi[:, _H:2 * _H] + gh[:, _H:2 * _H])
        n = jnp.tanh(gi[:, 2 * _H:] + r * gh[:, 2 * _H:])
        o_ref[...] = (1.0 - z) * n + z * x

    return pl.pallas_call(
        body,
        grid=(5,),
        in_specs=[
            pl.BlockSpec((_NC, 2000, _H), lambda i: (0, i, 0)),
            pl.BlockSpec((2000, _H), lambda i: (i, 0)),
            pl.BlockSpec((3 * _H, _H), lambda i: (0, 0)),
            pl.BlockSpec((3 * _H, _H), lambda i: (0, 0)),
            pl.BlockSpec((1, 1, 3 * _H), lambda i: (0, 0, 0)),
            pl.BlockSpec((1, 1, 3 * _H), lambda i: (0, 0, 0)),
        ],
        out_specs=pl.BlockSpec((2000, _H), lambda i: (i, 0)),
        out_shape=jax.ShapeDtypeStruct((_N, _H), jnp.float32),
    )(parts, node_states, w_ih, w_hh, b_ih, b_hh)


def kernel(node_states, edge_index, edge_type, lin_w, lin_b, w_ih, w_hh,
           b_ih, b_hh):
    src = edge_index[0].astype(jnp.int32)
    dst = edge_index[1].astype(jnp.int32)
    et = edge_type.astype(jnp.int32)

    pad = _EPW - _E // _NW
    gidx = et * _N + src
    pad_rows = (jnp.arange(pad, dtype=jnp.int32)[None, :]
                + (_EPW * jnp.arange(_NW, dtype=jnp.int32))[:, None]) % (
                    _T * _N)
    gidx = jnp.concatenate(
        [gidx.reshape(_NW, _E // _NW), pad_rows],
        axis=1).reshape(_NW, _CHUNKS, _K)
    pad_dsts = _N + (jnp.arange(pad, dtype=jnp.int32)[None, :]
                     + jnp.arange(_NW, dtype=jnp.int32)[:, None]) % (
                         _AGG_ROWS - _N)
    didx = jnp.concatenate(
        [dst.reshape(_NW, _E // _NW), pad_dsts],
        axis=1).reshape(_NW, _CHUNKS, _K)
    zeros = jnp.zeros((_RPT, _H), jnp.float32)

    table = _msg_table(node_states, lin_w, lin_b).reshape(_T * _N, _H)
    parts = _sc_scatter(table, gidx, didx, zeros)
    return _gru(parts, node_states, w_ih, w_hh,
                b_ih.reshape(1, 1, 3 * _H), b_hh.reshape(1, 1, 3 * _H))

# --- scband reference (transcript-rebuilt; emitter-appended) ---
"""Pipeline reference for scband-ggnnmessage-passing-22325240004849 (READ-ONLY COPY).

The authoritative reference and input builder live on the scoring server;
editing this copy changes nothing except your own understanding.
"""

import jax, jax.numpy as jnp
import numpy as np

HIDDEN_DIM = 128
NUM_EDGE_TYPES = 4
N_NODES = 10000
N_EDGES = 320000


def setup_inputs(seed: int = 0) -> dict:
    key = jax.random.key(seed)
    ks = jax.random.split(key, 9)
    node_states = jax.random.normal(ks[0], (N_NODES, HIDDEN_DIM), dtype=jnp.float32)
    edge_index = jax.random.randint(ks[1], (2, N_EDGES), 0, N_NODES)
    edge_type = jax.random.randint(ks[2], (N_EDGES,), 0, NUM_EDGE_TYPES)
    # per-edge-type Linear params (nn.Linear: y = x @ W.T + b)
    lin_w = jax.random.normal(ks[3], (NUM_EDGE_TYPES, HIDDEN_DIM, HIDDEN_DIM), dtype=jnp.float32) * 0.05
    lin_b = jax.random.normal(ks[4], (NUM_EDGE_TYPES, HIDDEN_DIM), dtype=jnp.float32) * 0.05
    # GRUCell params (torch layout: w_ih [3H, H], w_hh [3H, H], gate order r,z,n)
    w_ih = jax.random.normal(ks[5], (3 * HIDDEN_DIM, HIDDEN_DIM), dtype=jnp.float32) * 0.05
    w_hh = jax.random.normal(ks[6], (3 * HIDDEN_DIM, HIDDEN_DIM), dtype=jnp.float32) * 0.05
    b_ih = jax.random.normal(ks[7], (3 * HIDDEN_DIM,), dtype=jnp.float32) * 0.05
    b_hh = jax.random.normal(ks[8], (3 * HIDDEN_DIM,), dtype=jnp.float32) * 0.05
    return {"node_states": node_states, "edge_index": edge_index, "edge_type": edge_type,
            "lin_w": lin_w, "lin_b": lin_b, "w_ih": w_ih, "w_hh": w_hh, "b_ih": b_ih, "b_hh": b_hh}


def reference(node_states, edge_index, edge_type, lin_w, lin_b, w_ih, w_hh, b_ih, b_hh):
    N, H = node_states.shape
    src = edge_index[0]
    dst = edge_index[1]
    src_feats = jnp.take(node_states, src, axis=0)  # gather [E, H]
    agg = jnp.zeros((N, H), dtype=node_states.dtype)
    for t in range(NUM_EDGE_TYPES):
        msg = src_feats @ lin_w[t].T + lin_b[t]
        mask = (edge_type == t)[:, None]
        msg = jnp.where(mask, msg, 0.0)
        agg = agg.at[dst].add(msg)  # scatter-add per dst node
    # GRUCell(agg, node_states)
    gi = agg @ w_ih.T + b_ih
    gh = node_states @ w_hh.T + b_hh
    i_r, i_z, i_n = jnp.split(gi, 3, axis=1)
    h_r, h_z, h_n = jnp.split(gh, 3, axis=1)
    r = jax.nn.sigmoid(i_r + h_r)
    z = jax.nn.sigmoid(i_z + h_z)
    n = jnp.tanh(i_n + r * h_n)
    new_states = (1.0 - z) * n + z * node_states
    return new_states

if __name__ == "__main__":
    import jax
    _d = setup_inputs()
    print(jax.jit(kernel)(*tuple(_d.values())))

</pallas_src>

<mosaic_0001>
#map = affine_map<(d0, d1) -> (0, 0)>
#map1 = affine_map<(d0, d1) -> (0, 0, 0)>
module attributes {stable_mosaic.version = 14 : i64} {
  func.func @_sc_body(%arg0: i32, %arg1: i32, %arg2: memref<40000x128xf32, #tpu.memory_space<hbm>>, %arg3: memref<32x128x80xi32, #tpu.memory_space<hbm>>, %arg4: memref<32x128x80xi32, #tpu.memory_space<hbm>>, %arg5: memref<632x128xf32, #tpu.memory_space<hbm>>, %arg6: memref<2x10112x128xf32, #tpu.memory_space<hbm>>, %arg7: memref<4x8x80xi32, #tpu.memory_space<vmem>>, %arg8: memref<4x8x80xi32, #tpu.memory_space<vmem>>, %arg9: memref<4x80x128xf32, #tpu.memory_space<vmem>>, %arg10: memref<10112x128xf32, #tpu.memory_space<vmem_shared>>, %arg11: memref<4x!tpu.dma_semaphore, #tpu.memory_space<semaphore_mem>>, %arg12: memref<4x!tpu.dma_semaphore, #tpu.memory_space<semaphore_mem>>, %arg13: memref<!tpu.dma_semaphore, #tpu.memory_space<semaphore_mem>>, %arg14: memref<!tpu.dma_semaphore, #tpu.memory_space<semaphore_mem>>) attributes {dimension_semantics = [#tpu.dimension_semantics<core_parallel>, #tpu.dimension_semantics<subcore_parallel>], iteration_bounds = array<i64: 2, 16>, scalar_prefetch = 0 : i64, scratch_operands = 8 : i64, tpu.core_type = #tpu.core_type<sc_vector_subcore>, window_params = [{transform_indices = #map}, {transform_indices = #map1}, {transform_indices = #map1}, {transform_indices = #map}, {transform_indices = #map1}]} {
    %mul3A = arith.constant 2 : i32
    %mul3A_0 = arith.muli %arg1, %mul3A : i32
    %add3A = arith.addi %mul3A_0, %arg0 : i32
    %mul3A_1 = arith.constant 632 : i32
    %mul3A_2 = arith.muli %arg1, %mul3A_1 : i32
    "tpu.region"() ({
      %run_scoped3A = tpu.sem_alloc : memref<!tpu.dma_semaphore, #tpu.memory_space<semaphore_mem>>
      %dma_start3A_209 = arith.constant 0 : i32
      %dma_start3A_210 = tpu.memref_slice %arg10[%mul3A_2, %dma_start3A_209] : memref<10112x128xf32, #tpu.memory_space<vmem_shared>> -> memref<632x128xf32, #tpu.memory_space<vmem_shared>>
      tpu.enqueue_dma source(%arg5 : memref<632x128xf32, #tpu.memory_space<hbm>>) target(%dma_start3A_210 : memref<632x128xf32, #tpu.memory_space<vmem_shared>>) target_semaphore(%run_scoped3A : memref<!tpu.dma_semaphore, #tpu.memory_space<semaphore_mem>>)
      %dma_wait3A_211 = arith.constant 0 : i32
      %dma_wait3A_212 = tpu.memref_slice %arg10[%mul3A_2, %dma_wait3A_211] : memref<10112x128xf32, #tpu.memory_space<vmem_shared>> -> memref<632x128xf32, #tpu.memory_space<vmem_shared>>
      tpu.wait_dma2 semaphore(%run_scoped3A : memref<!tpu.dma_semaphore, #tpu.memory_space<semaphore_mem>>) src(%arg5 : memref<632x128xf32, #tpu.memory_space<hbm>>) dst(%dma_wait3A_212 : memref<632x128xf32, #tpu.memory_space<vmem_shared>>)
      tpu.yield
    }) : () -> ()
    %barrier3A = arith.constant 0 : index
    tpu.barrier barrier_id(%barrier3A)
    %dma_start3A = arith.constant 0 : i32
    %dma_start3A_3 = arith.constant 0 : i32
    %dma_start3A_4 = arith.constant 0 : i32
    %dma_start3A_5 = tpu.memref_slice %arg7[%dma_start3A, %dma_start3A_3, %dma_start3A_4] : memref<4x8x80xi32, #tpu.memory_space<vmem>> -> memref<1x8x80xi32, #tpu.memory_space<vmem>>
    %dma_start3A_6 = tpu.memref_squeeze %dma_start3A_5 : memref<1x8x80xi32, #tpu.memory_space<vmem>> -> memref<8x80xi32, #tpu.memory_space<vmem>>
    %dma_start3A_7 = arith.constant 0 : i32
    %dma_start3A_8 = arith.constant 0 : i32
    %dma_start3A_9 = tpu.memref_slice %arg3[%add3A, %dma_start3A_7, %dma_start3A_8] : memref<32x128x80xi32, #tpu.memory_space<hbm>> -> memref<1x8x80xi32, #tpu.memory_space<hbm>>
    %dma_start3A_10 = tpu.memref_squeeze %dma_start3A_9 : memref<1x8x80xi32, #tpu.memory_space<hbm>> -> memref<8x80xi32, #tpu.memory_space<hbm>>
    %dma_start3A_11 = arith.constant 0 : i32
    %dma_start3A_12 = arith.constant 0 : i32
    %dma_start3A_13 = tpu.memref_slice %arg7[%dma_start3A, %dma_start3A_11, %dma_start3A_12] : memref<4x8x80xi32, #tpu.memory_space<vmem>> -> memref<1x8x80xi32, #tpu.memory_space<vmem>>
    %dma_start3A_14 = tpu.memref_squeeze %dma_start3A_13 : memref<1x8x80xi32, #tpu.memory_space<vmem>> -> memref<8x80xi32, #tpu.memory_space<vmem>>
    %dma_start3A_15 = arith.constant 0 : i32
    %dma_start3A_16 = arith.constant 0 : i32
    %dma_start3A_17 = tpu.memref_slice %arg3[%add3A, %dma_start3A_15, %dma_start3A_16] : memref<32x128x80xi32, #tpu.memory_space<hbm>> -> memref<1x8x80xi32, #tpu.memory_space<hbm>>
    %dma_start3A_18 = tpu.memref_squeeze %dma_start3A_17 : memref<1x8x80xi32, #tpu.memory_space<hbm>> -> memref<8x80xi32, #tpu.memory_space<hbm>>
    tpu.enqueue_dma source(%dma_start3A_18 : memref<8x80xi32, #tpu.memory_space<hbm>>) target(%dma_start3A_14 : memref<8x80xi32, #tpu.memory_space<vmem>>) target_semaphore(%arg13 : memref<!tpu.dma_semaphore, #tpu.memory_space<semaphore_mem>>)
    %dma_start3A_19 = arith.constant 0 : i32
    %dma_start3A_20 = arith.constant 0 : i32
    %dma_start3A_21 = arith.constant 0 : i32
    %dma_start3A_22 = tpu.memref_slice %arg8[%dma_start3A_19, %dma_start3A_20, %dma_start3A_21] : memref<4x8x80xi32, #tpu.memory_space<vmem>> -> memref<1x8x80xi32, #tpu.memory_space<vmem>>
    %dma_start3A_23 = tpu.memref_squeeze %dma_start3A_22 : memref<1x8x80xi32, #tpu.memory_space<vmem>> -> memref<8x80xi32, #tpu.memory_space<vmem>>
    %dma_start3A_24 = arith.constant 0 : i32
    %dma_start3A_25 = arith.constant 0 : i32
    %dma_start3A_26 = tpu.memref_slice %arg4[%add3A, %dma_start3A_24, %dma_start3A_25] : memref<32x128x80xi32, #tpu.memory_space<hbm>> -> memref<1x8x80xi32, #tpu.memory_space<hbm>>
    %dma_start3A_27 = tpu.memref_squeeze %dma_start3A_26 : memref<1x8x80xi32, #tpu.memory_space<hbm>> -> memref<8x80xi32, #tpu.memory_space<hbm>>
    %dma_start3A_28 = arith.constant 0 : i32
    %dma_start3A_29 = arith.constant 0 : i32
    %dma_start3A_30 = tpu.memref_slice %arg8[%dma_start3A_19, %dma_start3A_28, %dma_start3A_29] : memref<4x8x80xi32, #tpu.memory_space<vmem>> -> memref<1x8x80xi32, #tpu.memory_space<vmem>>
    %dma_start3A_31 = tpu.memref_squeeze %dma_start3A_30 : memref<1x8x80xi32, #tpu.memory_space<vmem>> -> memref<8x80xi32, #tpu.memory_space<vmem>>
    %dma_start3A_32 = arith.constant 0 : i32
    %dma_start3A_33 = arith.constant 0 : i32
    %dma_start3A_34 = tpu.memref_slice %arg4[%add3A, %dma_start3A_32, %dma_start3A_33] : memref<32x128x80xi32, #tpu.memory_space<hbm>> -> memref<1x8x80xi32, #tpu.memory_space<hbm>>
    %dma_start3A_35 = tpu.memref_squeeze %dma_start3A_34 : memref<1x8x80xi32, #tpu.memory_space<hbm>> -> memref<8x80xi32, #tpu.memory_space<hbm>>
    tpu.enqueue_dma source(%dma_start3A_35 : memref<8x80xi32, #tpu.memory_space<hbm>>) target(%dma_start3A_31 : memref<8x80xi32, #tpu.memory_space<vmem>>) target_semaphore(%arg14 : memref<!tpu.dma_semaphore, #tpu.memory_space<semaphore_mem>>)
    %scan3A = arith.constant 0 : i32
    %scan3A_36 = arith.constant 0 : i32
    %scan3A_37 = arith.constant 128 : i32
    %scan3A_38 = arith.addi %scan3A_36, %scan3A_37 : i32
    %scan3A_39 = arith.constant 1 : i32
    scf.for %scan3A_209 = %scan3A_36 to %scan3A_38 step %scan3A_39  : i32 {
      %div3A = arith.constant 8 : i32
      %div3A_210 = arith.divsi %scan3A_209, %div3A : i32
      %rem3A = arith.constant 8 : i32
      %rem3A_211 = arith.remsi %scan3A_209, %rem3A : i32
      %rem3A_212 = arith.constant 4 : i32
      %rem3A_213 = arith.remsi %div3A_210, %rem3A_212 : i32
      %rem3A_214 = arith.constant 4 : i32
      %rem3A_215 = arith.remsi %scan3A_209, %rem3A_214 : i32
      %eq3A = arith.constant 0 : i32
      %eq3A_216 = arith.cmpi eq, %rem3A_211, %eq3A : i32
      %convert_element_type3A = arith.extui %eq3A_216 : i1 to i32
      %cond3A = arith.constant 0 : i32
      %cond3A_217 = arith.cmpi ne, %convert_element_type3A, %cond3A : i32
      scf.if %cond3A_217 {
        %dma_wait3A_247 = arith.constant 0 : i32
        %dma_wait3A_248 = arith.constant 0 : i32
        %dma_wait3A_249 = tpu.memref_slice %arg7[%rem3A_213, %dma_wait3A_247, %dma_wait3A_248] : memref<4x8x80xi32, #tpu.memory_space<vmem>> -> memref<1x8x80xi32, #tpu.memory_space<vmem>>
        %dma_wait3A_250 = tpu.memref_squeeze %dma_wait3A_249 : memref<1x8x80xi32, #tpu.memory_space<vmem>> -> memref<8x80xi32, #tpu.memory_space<vmem>>
        %dma_wait3A_251 = arith.constant 0 : i32
        %dma_wait3A_252 = arith.constant 0 : i32
        %dma_wait3A_253 = tpu.memref_slice %arg3[%add3A, %dma_wait3A_251, %dma_wait3A_252] : memref<32x128x80xi32, #tpu.memory_space<hbm>> -> memref<1x8x80xi32, #tpu.memory_space<hbm>>
        %dma_wait3A_254 = tpu.memref_squeeze %dma_wait3A_253 : memref<1x8x80xi32, #tpu.memory_space<hbm>> -> memref<8x80xi32, #tpu.memory_space<hbm>>
        %dma_wait3A_255 = arith.constant 0 : i32
        %dma_wait3A_256 = arith.constant 0 : i32
        %dma_wait3A_257 = tpu.memref_slice %arg7[%rem3A_213, %dma_wait3A_255, %dma_wait3A_256] : memref<4x8x80xi32, #tpu.memory_space<vmem>> -> memref<1x8x80xi32, #tpu.memory_space<vmem>>
        %dma_wait3A_258 = tpu.memref_squeeze %dma_wait3A_257 : memref<1x8x80xi32, #tpu.memory_space<vmem>> -> memref<8x80xi32, #tpu.memory_space<vmem>>
        %dma_wait3A_259 = arith.constant 0 : i32
        %dma_wait3A_260 = arith.constant 0 : i32
        %dma_wait3A_261 = tpu.memref_slice %arg3[%add3A, %dma_wait3A_259, %dma_wait3A_260] : memref<32x128x80xi32, #tpu.memory_space<hbm>> -> memref<1x8x80xi32, #tpu.memory_space<hbm>>
        %dma_wait3A_262 = tpu.memref_squeeze %dma_wait3A_261 : memref<1x8x80xi32, #tpu.memory_space<hbm>> -> memref<8x80xi32, #tpu.memory_space<hbm>>
        tpu.wait_dma2 semaphore(%arg13 : memref<!tpu.dma_semaphore, #tpu.memory_space<semaphore_mem>>) src(%dma_wait3A_262 : memref<8x80xi32, #tpu.memory_space<hbm>>) dst(%dma_wait3A_258 : memref<8x80xi32, #tpu.memory_space<vmem>>)
        %dma_wait3A_263 = arith.constant 0 : i32
        %dma_wait3A_264 = arith.constant 0 : i32
        %dma_wait3A_265 = tpu.memref_slice %arg8[%rem3A_213, %dma_wait3A_263, %dma_wait3A_264] : memref<4x8x80xi32, #tpu.memory_space<vmem>> -> memref<1x8x80xi32, #tpu.memory_space<vmem>>
        %dma_wait3A_266 = tpu.memref_squeeze %dma_wait3A_265 : memref<1x8x80xi32, #tpu.memory_space<vmem>> -> memref<8x80xi32, #tpu.memory_space<vmem>>
        %dma_wait3A_267 = arith.constant 0 : i32
        %dma_wait3A_268 = arith.constant 0 : i32
        %dma_wait3A_269 = tpu.memref_slice %arg4[%add3A, %dma_wait3A_267, %dma_wait3A_268] : memref<32x128x80xi32, #tpu.memory_space<hbm>> -> memref<1x8x80xi32, #tpu.memory_space<hbm>>
        %dma_wait3A_270 = tpu.memref_squeeze %dma_wait3A_269 : memref<1x8x80xi32, #tpu.memory_space<hbm>> -> memref<8x80xi32, #tpu.memory_space<hbm>>
        %dma_wait3A_271 = arith.constant 0 : i32
        %dma_wait3A_272 = arith.constant 0 : i32
        %dma_wait3A_273 = tpu.memref_slice %arg8[%rem3A_213, %dma_wait3A_271, %dma_wait3A_272] : memref<4x8x80xi32, #tpu.memory_space<vmem>> -> memref<1x8x80xi32, #tpu.memory_space<vmem>>
        %dma_wait3A_274 = tpu.memref_squeeze %dma_wait3A_273 : memref<1x8x80xi32, #tpu.memory_space<vmem>> -> memref<8x80xi32, #tpu.memory_space<vmem>>
        %dma_wait3A_275 = arith.constant 0 : i32
        %dma_wait3A_276 = arith.constant 0 : i32
        %dma_wait3A_277 = tpu.memref_slice %arg4[%add3A, %dma_wait3A_275, %dma_wait3A_276] : memref<32x128x80xi32, #tpu.memory_space<hbm>> -> memref<1x8x80xi32, #tpu.memory_space<hbm>>
        %dma_wait3A_278 = tpu.memref_squeeze %dma_wait3A_277 : memref<1x8x80xi32, #tpu.memory_space<hbm>> -> memref<8x80xi32, #tpu.memory_space<hbm>>
        tpu.wait_dma2 semaphore(%arg14 : memref<!tpu.dma_semaphore, #tpu.memory_space<semaphore_mem>>) src(%dma_wait3A_278 : memref<8x80xi32, #tpu.memory_space<hbm>>) dst(%dma_wait3A_274 : memref<8x80xi32, #tpu.memory_space<vmem>>)
      } else {
      }
      %ge3A = arith.constant 3 : i32
      %ge3A_218 = arith.cmpi sge, %scan3A_209, %ge3A : i32
      %convert_element_type3A_219 = arith.extui %ge3A_218 : i1 to i32
      %cond3A_220 = arith.constant 0 : i32
      %cond3A_221 = arith.cmpi ne, %convert_element_type3A_219, %cond3A_220 : i32
      scf.if %cond3A_221 {
        %sub3A = arith.constant 3 : i32
        %sub3A_247 = arith.subi %scan3A_209, %sub3A : i32
        %div3A_248 = arith.constant 8 : i32
        %div3A_249 = arith.divsi %sub3A_247, %div3A_248 : i32
        %rem3A_250 = arith.constant 4 : i32
        %rem3A_251 = arith.remsi %div3A_249, %rem3A_250 : i32
        %rem3A_252 = arith.constant 8 : i32
        %rem3A_253 = arith.remsi %sub3A_247, %rem3A_252 : i32
        %rem3A_254 = arith.constant 4 : i32
        %rem3A_255 = arith.remsi %sub3A_247, %rem3A_254 : i32
        %dma_wait3A_256 = arith.constant 0 : i32
        %dma_wait3A_257 = arith.constant 0 : i32
        %dma_wait3A_258 = tpu.memref_slice %arg9[%rem3A_255, %dma_wait3A_256, %dma_wait3A_257] : memref<4x80x128xf32, #tpu.memory_space<vmem>> -> memref<1x80x128xf32, #tpu.memory_space<vmem>>
        %dma_wait3A_259 = tpu.memref_squeeze %dma_wait3A_258 : memref<1x80x128xf32, #tpu.memory_space<vmem>> -> memref<80x128xf32, #tpu.memory_space<vmem>>
        %dma_wait3A_260 = arith.constant 0 : i32
        %dma_wait3A_261 = tpu.memref_slice %arg7[%rem3A_251, %rem3A_253, %dma_wait3A_260] : memref<4x8x80xi32, #tpu.memory_space<vmem>> -> memref<1x1x80xi32, #tpu.memory_space<vmem>>
        %dma_wait3A_262 = tpu.memref_squeeze %dma_wait3A_261 : memref<1x1x80xi32, #tpu.memory_space<vmem>> -> memref<80xi32, #tpu.memory_space<vmem>>
        %dma_wait3A_263 = arith.constant 0 : i32
        %dma_wait3A_264 = arith.constant 0 : i32
        %dma_wait3A_265 = tpu.memref_slice %arg2[%dma_wait3A_263, %dma_wait3A_264] : memref<40000x128xf32, #tpu.memory_space<hbm>> -> memref<40000x128xf32, #tpu.memory_space<hbm>>
        %dma_wait3A_266 = tpu.memref_slice %arg11[%rem3A_255] : memref<4x!tpu.dma_semaphore, #tpu.memory_space<semaphore_mem>> -> memref<1x!tpu.dma_semaphore, #tpu.memory_space<semaphore_mem>>
        %dma_wait3A_267 = tpu.memref_squeeze %dma_wait3A_266 : memref<1x!tpu.dma_semaphore, #tpu.memory_space<semaphore_mem>> -> memref<!tpu.dma_semaphore, #tpu.memory_space<semaphore_mem>>
        tpu.wait_indirect_dma semaphore(%dma_wait3A_267 : memref<!tpu.dma_semaphore, #tpu.memory_space<semaphore_mem>>) src(%dma_wait3A_265 : memref<40000x128xf32, #tpu.memory_space<hbm>>) dst(%dma_wait3A_259 : memref<80x128xf32, #tpu.memory_space<vmem>>)
        %dma_start3A_268 = arith.constant 0 : i32
        %dma_start3A_269 = arith.constant 0 : i32
        %dma_start3A_270 = tpu.memref_slice %arg9[%rem3A_255, %dma_start3A_268, %dma_start3A_269] : memref<4x80x128xf32, #tpu.memory_space<vmem>> -> memref<1x80x128xf32, #tpu.memory_space<vmem>>
        %dma_start3A_271 = tpu.memref_squeeze %dma_start3A_270 : memref<1x80x128xf32, #tpu.memory_space<vmem>> -> memref<80x128xf32, #tpu.memory_space<vmem>>
        %dma_start3A_272 = arith.constant 0 : i32
        %dma_start3A_273 = tpu.memref_slice %arg8[%rem3A_251, %rem3A_253, %dma_start3A_272] : memref<4x8x80xi32, #tpu.memory_space<vmem>> -> memref<1x1x80xi32, #tpu.memory_space<vmem>>
        %dma_start3A_274 = tpu.memref_squeeze %dma_start3A_273 : memref<1x1x80xi32, #tpu.memory_space<vmem>> -> memref<80xi32, #tpu.memory_space<vmem>>
        %dma_start3A_275 = arith.constant 0 : i32
        %dma_start3A_276 = arith.constant 0 : i32
        %dma_start3A_277 = tpu.memref_slice %arg10[%dma_start3A_275, %dma_start3A_276] : memref<10112x128xf32, #tpu.memory_space<vmem_shared>> -> memref<10112x128xf32, #tpu.memory_space<vmem_shared>>
        %dma_start3A_278 = tpu.memref_slice %arg12[%rem3A_255] : memref<4x!tpu.dma_semaphore, #tpu.memory_space<semaphore_mem>> -> memref<1x!tpu.dma_semaphore, #tpu.memory_space<semaphore_mem>>
        %dma_start3A_279 = tpu.memref_squeeze %dma_start3A_278 : memref<1x!tpu.dma_semaphore, #tpu.memory_space<semaphore_mem>> -> memref<!tpu.dma_semaphore, #tpu.memory_space<semaphore_mem>>
        tpu.enqueue_indirect_dma source(%dma_start3A_271 : memref<80x128xf32, #tpu.memory_space<vmem>>) target(%dma_start3A_277 : memref<10112x128xf32, #tpu.memory_space<vmem_shared>>) offsets(%dma_start3A_274 : memref<80xi32, #tpu.memory_space<vmem>>) semaphore(%dma_start3A_279 : memref<!tpu.dma_semaphore, #tpu.memory_space<semaphore_mem>>) {add = true}
      } else {
      }
      %eq3A_222 = arith.constant 0 : i32
      %eq3A_223 = arith.cmpi eq, %rem3A_211, %eq3A_222 : i32
      %add3A_224 = arith.constant 1 : i32
      %add3A_225 = arith.addi %div3A_210, %add3A_224 : i32
      %lt3A = arith.constant 16 : i32
      %lt3A_226 = arith.cmpi slt, %add3A_225, %lt3A : i32
      %and3A = arith.andi %eq3A_223, %lt3A_226 : i1
      %convert_element_type3A_227 = arith.extui %and3A : i1 to i32
      %cond3A_228 = arith.constant 0 : i32
      %cond3A_229 = arith.cmpi ne, %convert_element_type3A_227, %cond3A_228 : i32
      scf.if %cond3A_229 {
        %add3A_247 = arith.constant 1 : i32
        %add3A_248 = arith.addi %div3A_210, %add3A_247 : i32
        %rem3A_249 = arith.constant 4 : i32
        %rem3A_250 = arith.remsi %add3A_248, %rem3A_249 : i32
        %add3A_251 = arith.constant 1 : i32
        %add3A_252 = arith.addi %div3A_210, %add3A_251 : i32
        %mul3A_253 = arith.constant 8 : i32
        %mul3A_254 = arith.muli %add3A_252, %mul3A_253 : i32
        %dma_start3A_255 = arith.constant 0 : i32
        %dma_start3A_256 = arith.constant 0 : i32
        %dma_start3A_257 = tpu.memref_slice %arg7[%rem3A_250, %dma_start3A_255, %dma_start3A_256] : memref<4x8x80xi32, #tpu.memory_space<vmem>> -> memref<1x8x80xi32, #tpu.memory_space<vmem>>
        %dma_start3A_258 = tpu.memref_squeeze %dma_start3A_257 : memref<1x8x80xi32, #tpu.memory_space<vmem>> -> memref<8x80xi32, #tpu.memory_space<vmem>>
        %dma_start3A_259 = arith.constant 0 : i32
        %dma_start3A_260 = tpu.memref_slice %arg3[%add3A, %mul3A_254, %dma_start3A_259] : memref<32x128x80xi32, #tpu.memory_space<hbm>> -> memref<1x8x80xi32, #tpu.memory_space<hbm>>
        %dma_start3A_261 = tpu.memref_squeeze %dma_start3A_260 : memref<1x8x80xi32, #tpu.memory_space<hbm>> -> memref<8x80xi32, #tpu.memory_space<hbm>>
        %dma_start3A_262 = arith.constant 0 : i32
        %dma_start3A_263 = arith.constant 0 : i32
        %dma_start3A_264 = tpu.memref_slice %arg7[%rem3A_250, %dma_start3A_262, %dma_start3A_263] : memref<4x8x80xi32, #tpu.memory_space<vmem>> -> memref<1x8x80xi32, #tpu.memory_space<vmem>>
        %dma_start3A_265 = tpu.memref_squeeze %dma_start3A_264 : memref<1x8x80xi32, #tpu.memory_space<vmem>> -> memref<8x80xi32, #tpu.memory_space<vmem>>
        %dma_start3A_266 = arith.constant 0 : i32
        %dma_start3A_267 = tpu.memref_slice %arg3[%add3A, %mul3A_254, %dma_start3A_266] : memref<32x128x80xi32, #tpu.memory_space<hbm>> -> memref<1x8x80xi32, #tpu.memory_space<hbm>>
        %dma_start3A_268 = tpu.memref_squeeze %dma_start3A_267 : memref<1x8x80xi32, #tpu.memory_space<hbm>> -> memref<8x80xi32, #tpu.memory_space<hbm>>
        tpu.enqueue_dma source(%dma_start3A_268 : memref<8x80xi32, #tpu.memory_space<hbm>>) target(%dma_start3A_265 : memref<8x80xi32, #tpu.memory_space<vmem>>) target_semaphore(%arg13 : memref<!tpu.dma_semaphore, #tpu.memory_space<semaphore_mem>>)
        %dma_start3A_269 = arith.constant 0 : i32
        %dma_start3A_270 = arith.constant 0 : i32
        %dma_start3A_271 = tpu.memref_slice %arg8[%rem3A_250, %dma_start3A_269, %dma_start3A_270] : memref<4x8x80xi32, #tpu.memory_space<vmem>> -> memref<1x8x80xi32, #tpu.memory_space<vmem>>
        %dma_start3A_272 = tpu.memref_squeeze %dma_start3A_271 : memref<1x8x80xi32, #tpu.memory_space<vmem>> -> memref<8x80xi32, #tpu.memory_space<vmem>>
        %dma_start3A_273 = arith.constant 0 : i32
        %dma_start3A_274 = tpu.memref_slice %arg4[%add3A, %mul3A_254, %dma_start3A_273] : memref<32x128x80xi32, #tpu.memory_space<hbm>> -> memref<1x8x80xi32, #tpu.memory_space<hbm>>
        %dma_start3A_275 = tpu.memref_squeeze %dma_start3A_274 : memref<1x8x80xi32, #tpu.memory_space<hbm>> -> memref<8x80xi32, #tpu.memory_space<hbm>>
        %dma_start3A_276 = arith.constant 0 : i32
        %dma_start3A_277 = arith.constant 0 : i32
        %dma_start3A_278 = tpu.memref_slice %arg8[%rem3A_250, %dma_start3A_276, %dma_start3A_277] : memref<4x8x80xi32, #tpu.memory_space<vmem>> -> memref<1x8x80xi32, #tpu.memory_space<vmem>>
        %dma_start3A_279 = tpu.memref_squeeze %dma_start3A_278 : memref<1x8x80xi32, #tpu.memory_space<vmem>> -> memref<8x80xi32, #tpu.memory_space<vmem>>
        %dma_start3A_280 = arith.constant 0 : i32
        %dma_start3A_281 = tpu.memref_slice %arg4[%add3A, %mul3A_254, %dma_start3A_280] : memref<32x128x80xi32, #tpu.memory_space<hbm>> -> memref<1x8x80xi32, #tpu.memory_space<hbm>>
        %dma_start3A_282 = tpu.memref_squeeze %dma_start3A_281 : memref<1x8x80xi32, #tpu.memory_space<hbm>> -> memref<8x80xi32, #tpu.memory_space<hbm>>
        tpu.enqueue_dma source(%dma_start3A_282 : memref<8x80xi32, #tpu.memory_space<hbm>>) target(%dma_start3A_279 : memref<8x80xi32, #tpu.memory_space<vmem>>) target_semaphore(%arg14 : memref<!tpu.dma_semaphore, #tpu.memory_space<semaphore_mem>>)
      } else {
      }
      %ge3A_230 = arith.constant 4 : i32
      %ge3A_231 = arith.cmpi sge, %scan3A_209, %ge3A_230 : i32
      %convert_element_type3A_232 = arith.extui %ge3A_231 : i1 to i32
      %cond3A_233 = arith.constant 0 : i32
      %cond3A_234 = arith.cmpi ne, %convert_element_type3A_232, %cond3A_233 : i32
      scf.if %cond3A_234 {
        %dma_wait3A_247 = arith.constant 0 : i32
        %dma_wait3A_248 = arith.constant 0 : i32
        %dma_wait3A_249 = tpu.memref_slice %arg9[%rem3A_215, %dma_wait3A_247, %dma_wait3A_248] : memref<4x80x128xf32, #tpu.memory_space<vmem>> -> memref<1x80x128xf32, #tpu.memory_space<vmem>>
        %dma_wait3A_250 = tpu.memref_squeeze %dma_wait3A_249 : memref<1x80x128xf32, #tpu.memory_space<vmem>> -> memref<80x128xf32, #tpu.memory_space<vmem>>
        %dma_wait3A_251 = arith.constant 0 : i32
        %dma_wait3A_252 = arith.constant 0 : i32
        %dma_wait3A_253 = tpu.memref_slice %arg2[%dma_wait3A_251, %dma_wait3A_252] : memref<40000x128xf32, #tpu.memory_space<hbm>> -> memref<80x128xf32, #tpu.memory_space<hbm>>
        %dma_wait3A_254 = tpu.memref_slice %arg12[%rem3A_215] : memref<4x!tpu.dma_semaphore, #tpu.memory_space<semaphore_mem>> -> memref<1x!tpu.dma_semaphore, #tpu.memory_space<semaphore_mem>>
        %dma_wait3A_255 = tpu.memref_squeeze %dma_wait3A_254 : memref<1x!tpu.dma_semaphore, #tpu.memory_space<semaphore_mem>> -> memref<!tpu.dma_semaphore, #tpu.memory_space<semaphore_mem>>
        %dma_wait3A_256 = arith.constant 0 : i32
        %dma_wait3A_257 = arith.constant 0 : i32
        %dma_wait3A_258 = tpu.memref_slice %arg9[%rem3A_215, %dma_wait3A_256, %dma_wait3A_257] : memref<4x80x128xf32, #tpu.memory_space<vmem>> -> memref<1x80x128xf32, #tpu.memory_space<vmem>>
        %dma_wait3A_259 = tpu.memref_squeeze %dma_wait3A_258 : memref<1x80x128xf32, #tpu.memory_space<vmem>> -> memref<80x128xf32, #tpu.memory_space<vmem>>
        %dma_wait3A_260 = arith.constant 0 : i32
        %dma_wait3A_261 = arith.constant 0 : i32
        %dma_wait3A_262 = tpu.memref_slice %arg2[%dma_wait3A_260, %dma_wait3A_261] : memref<40000x128xf32, #tpu.memory_space<hbm>> -> memref<80x128xf32, #tpu.memory_space<hbm>>
        tpu.wait_dma2 semaphore(%dma_wait3A_255 : memref<!tpu.dma_semaphore, #tpu.memory_space<semaphore_mem>>) src(%dma_wait3A_262 : memref<80x128xf32, #tpu.memory_space<hbm>>) dst(%dma_wait3A_259 : memref<80x128xf32, #tpu.memory_space<vmem>>)
      } else {
      }
      %dma_start3A_235 = arith.constant 0 : i32
      %dma_start3A_236 = arith.constant 0 : i32
      %dma_start3A_237 = tpu.memref_slice %arg9[%rem3A_215, %dma_start3A_235, %dma_start3A_236] : memref<4x80x128xf32, #tpu.memory_space<vmem>> -> memref<1x80x128xf32, #tpu.memory_space<vmem>>
      %dma_start3A_238 = tpu.memref_squeeze %dma_start3A_237 : memref<1x80x128xf32, #tpu.memory_space<vmem>> -> memref<80x128xf32, #tpu.memory_space<vmem>>
      %dma_start3A_239 = arith.constant 0 : i32
      %dma_start3A_240 = tpu.memref_slice %arg7[%rem3A_213, %rem3A_211, %dma_start3A_239] : memref<4x8x80xi32, #tpu.memory_space<vmem>> -> memref<1x1x80xi32, #tpu.memory_space<vmem>>
      %dma_start3A_241 = tpu.memref_squeeze %dma_start3A_240 : memref<1x1x80xi32, #tpu.memory_space<vmem>> -> memref<80xi32, #tpu.memory_space<vmem>>
      %dma_start3A_242 = arith.constant 0 : i32
      %dma_start3A_243 = arith.constant 0 : i32
      %dma_start3A_244 = tpu.memref_slice %arg2[%dma_start3A_242, %dma_start3A_243] : memref<40000x128xf32, #tpu.memory_space<hbm>> -> memref<40000x128xf32, #tpu.memory_space<hbm>>
      %dma_start3A_245 = tpu.memref_slice %arg11[%rem3A_215] : memref<4x!tpu.dma_semaphore, #tpu.memory_space<semaphore_mem>> -> memref<1x!tpu.dma_semaphore, #tpu.memory_space<semaphore_mem>>
      %dma_start3A_246 = tpu.memref_squeeze %dma_start3A_245 : memref<1x!tpu.dma_semaphore, #tpu.memory_space<semaphore_mem>> -> memref<!tpu.dma_semaphore, #tpu.memory_space<semaphore_mem>>
      tpu.enqueue_indirect_dma source(%dma_start3A_244 : memref<40000x128xf32, #tpu.memory_space<hbm>>) target(%dma_start3A_238 : memref<80x128xf32, #tpu.memory_space<vmem>>) offsets(%dma_start3A_241 : memref<80xi32, #tpu.memory_space<vmem>>) semaphore(%dma_start3A_246 : memref<!tpu.dma_semaphore, #tpu.memory_space<semaphore_mem>>)
    }
    %scan3A_40 = arith.constant 128 : i32
    %dma_wait3A = arith.constant 3 : i32
    %dma_wait3A_41 = arith.constant 5 : i32
    %dma_wait3A_42 = arith.constant 1 : i32
    %dma_wait3A_43 = arith.constant 1 : i32
    %dma_wait3A_44 = arith.constant 0 : i32
    %dma_wait3A_45 = arith.constant 0 : i32
    %dma_wait3A_46 = tpu.memref_slice %arg9[%dma_wait3A_42, %dma_wait3A_44, %dma_wait3A_45] : memref<4x80x128xf32, #tpu.memory_space<vmem>> -> memref<1x80x128xf32, #tpu.memory_space<vmem>>
    %dma_wait3A_47 = tpu.memref_squeeze %dma_wait3A_46 : memref<1x80x128xf32, #tpu.memory_space<vmem>> -> memref<80x128xf32, #tpu.memory_space<vmem>>
    %dma_wait3A_48 = arith.constant 0 : i32
    %dma_wait3A_49 = tpu.memref_slice %arg7[%dma_wait3A, %dma_wait3A_41, %dma_wait3A_48] : memref<4x8x80xi32, #tpu.memory_space<vmem>> -> memref<1x1x80xi32, #tpu.memory_space<vmem>>
    %dma_wait3A_50 = tpu.memref_squeeze %dma_wait3A_49 : memref<1x1x80xi32, #tpu.memory_space<vmem>> -> memref<80xi32, #tpu.memory_space<vmem>>
    %dma_wait3A_51 = arith.constant 0 : i32
    %dma_wait3A_52 = arith.constant 0 : i32
    %dma_wait3A_53 = tpu.memref_slice %arg2[%dma_wait3A_51, %dma_wait3A_52] : memref<40000x128xf32, #tpu.memory_space<hbm>> -> memref<40000x128xf32, #tpu.memory_space<hbm>>
    %dma_wait3A_54 = tpu.memref_slice %arg11[%dma_wait3A_43] : memref<4x!tpu.dma_semaphore, #tpu.memory_space<semaphore_mem>> -> memref<1x!tpu.dma_semaphore, #tpu.memory_space<semaphore_mem>>
    %dma_wait3A_55 = tpu.memref_squeeze %dma_wait3A_54 : memref<1x!tpu.dma_semaphore, #tpu.memory_space<semaphore_mem>> -> memref<!tpu.dma_semaphore, #tpu.memory_space<semaphore_mem>>
    tpu.wait_indirect_dma semaphore(%dma_wait3A_55 : memref<!tpu.dma_semaphore, #tpu.memory_space<semaphore_mem>>) src(%dma_wait3A_53 : memref<40000x128xf32, #tpu.memory_space<hbm>>) dst(%dma_wait3A_47 : memref<80x128xf32, #tpu.memory_space<vmem>>)
    %dma_start3A_56 = arith.constant 1 : i32
    %dma_start3A_57 = arith.constant 3 : i32
    %dma_start3A_58 = arith.constant 5 : i32
    %dma_start3A_59 = arith.constant 1 : i32
    %dma_start3A_60 = arith.constant 0 : i32
    %dma_start3A_61 = arith.constant 0 : i32
    %dma_start3A_62 = tpu.memref_slice %arg9[%dma_start3A_56, %dma_start3A_60, %dma_start3A_61] : memref<4x80x128xf32, #tpu.memory_space<vmem>> -> memref<1x80x128xf32, #tpu.memory_space<vmem>>
    %dma_start3A_63 = tpu.memref_squeeze %dma_start3A_62 : memref<1x80x128xf32, #tpu.memory_space<vmem>> -> memref<80x128xf32, #tpu.memory_space<vmem>>
    %dma_start3A_64 = arith.constant 0 : i32
    %dma_start3A_65 = tpu.memref_slice %arg8[%dma_start3A_57, %dma_start3A_58, %dma_start3A_64] : memref<4x8x80xi32, #tpu.memory_space<vmem>> -> memref<1x1x80xi32, #tpu.memory_space<vmem>>
    %dma_start3A_66 = tpu.memref_squeeze %dma_start3A_65 : memref<1x1x80xi32, #tpu.memory_space<vmem>> -> memref<80xi32, #tpu.memory_space<vmem>>
    %dma_start3A_67 = arith.constant 0 : i32
    %dma_start3A_68 = arith.constant 0 : i32
    %dma_start3A_69 = tpu.memref_slice %arg10[%dma_start3A_67, %dma_start3A_68] : memref<10112x128xf32, #tpu.memory_space<vmem_shared>> -> memref<10112x128xf32, #tpu.memory_space<vmem_shared>>
    %dma_start3A_70 = tpu.memref_slice %arg12[%dma_start3A_59] : memref<4x!tpu.dma_semaphore, #tpu.memory_space<semaphore_mem>> -> memref<1x!tpu.dma_semaphore, #tpu.memory_space<semaphore_mem>>
    %dma_start3A_71 = tpu.memref_squeeze %dma_start3A_70 : memref<1x!tpu.dma_semaphore, #tpu.memory_space<semaphore_mem>> -> memref<!tpu.dma_semaphore, #tpu.memory_space<semaphore_mem>>
    tpu.enqueue_indirect_dma source(%dma_start3A_63 : memref<80x128xf32, #tpu.memory_space<vmem>>) target(%dma_start3A_69 : memref<10112x128xf32, #tpu.memory_space<vmem_shared>>) offsets(%dma_start3A_66 : memref<80xi32, #tpu.memory_space<vmem>>) semaphore(%dma_start3A_71 : memref<!tpu.dma_semaphore, #tpu.memory_space<semaphore_mem>>) {add = true}
    %dma_wait3A_72 = arith.constant 3 : i32
    %dma_wait3A_73 = arith.constant 6 : i32
    %dma_wait3A_74 = arith.constant 2 : i32
    %dma_wait3A_75 = arith.constant 2 : i32
    %dma_wait3A_76 = arith.constant 0 : i32
    %dma_wait3A_77 = arith.constant 0 : i32
    %dma_wait3A_78 = tpu.memref_slice %arg9[%dma_wait3A_74, %dma_wait3A_76, %dma_wait3A_77] : memref<4x80x128xf32, #tpu.memory_space<vmem>> -> memref<1x80x128xf32, #tpu.memory_space<vmem>>
    %dma_wait3A_79 = tpu.memref_squeeze %dma_wait3A_78 : memref<1x80x128xf32, #tpu.memory_space<vmem>> -> memref<80x128xf32, #tpu.memory_space<vmem>>
    %dma_wait3A_80 = arith.constant 0 : i32
    %dma_wait3A_81 = tpu.memref_slice %arg7[%dma_wait3A_72, %dma_wait3A_73, %dma_wait3A_80] : memref<4x8x80xi32, #tpu.memory_space<vmem>> -> memref<1x1x80xi32, #tpu.memory_space<vmem>>
    %dma_wait3A_82 = tpu.memref_squeeze %dma_wait3A_81 : memref<1x1x80xi32, #tpu.memory_space<vmem>> -> memref<80xi32, #tpu.memory_space<vmem>>
    %dma_wait3A_83 = arith.constant 0 : i32
    %dma_wait3A_84 = arith.constant 0 : i32
    %dma_wait3A_85 = tpu.memref_slice %arg2[%dma_wait3A_83, %dma_wait3A_84] : memref<40000x128xf32, #tpu.memory_space<hbm>> -> memref<40000x128xf32, #tpu.memory_space<hbm>>
    %dma_wait3A_86 = tpu.memref_slice %arg11[%dma_wait3A_75] : memref<4x!tpu.dma_semaphore, #tpu.memory_space<semaphore_mem>> -> memref<1x!tpu.dma_semaphore, #tpu.memory_space<semaphore_mem>>
    %dma_wait3A_87 = tpu.memref_squeeze %dma_wait3A_86 : memref<1x!tpu.dma_semaphore, #tpu.memory_space<semaphore_mem>> -> memref<!tpu.dma_semaphore, #tpu.memory_space<semaphore_mem>>
    tpu.wait_indirect_dma semaphore(%dma_wait3A_87 : memref<!tpu.dma_semaphore, #tpu.memory_space<semaphore_mem>>) src(%dma_wait3A_85 : memref<40000x128xf32, #tpu.memory_space<hbm>>) dst(%dma_wait3A_79 : memref<80x128xf32, #tpu.memory_space<vmem>>)
    %dma_start3A_88 = arith.constant 2 : i32
    %dma_start3A_89 = arith.constant 3 : i32
    %dma_start3A_90 = arith.constant 6 : i32
    %dma_start3A_91 = arith.constant 2 : i32
    %dma_start3A_92 = arith.constant 0 : i32
    %dma_start3A_93 = arith.constant 0 : i32
    %dma_start3A_94 = tpu.memref_slice %arg9[%dma_start3A_88, %dma_start3A_92, %dma_start3A_93] : memref<4x80x128xf32, #tpu.memory_space<vmem>> -> memref<1x80x128xf32, #tpu.memory_space<vmem>>
    %dma_start3A_95 = tpu.memref_squeeze %dma_start3A_94 : memref<1x80x128xf32, #tpu.memory_space<vmem>> -> memref<80x128xf32, #tpu.memory_space<vmem>>
    %dma_start3A_96 = arith.constant 0 : i32
    %dma_start3A_97 = tpu.memref_slice %arg8[%dma_start3A_89, %dma_start3A_90, %dma_start3A_96] : memref<4x8x80xi32, #tpu.memory_space<vmem>> -> memref<1x1x80xi32, #tpu.memory_space<vmem>>
    %dma_start3A_98 = tpu.memref_squeeze %dma_start3A_97 : memref<1x1x80xi32, #tpu.memory_space<vmem>> -> memref<80xi32, #tpu.memory_space<vmem>>
    %dma_start3A_99 = arith.constant 0 : i32
    %dma_start3A_100 = arith.constant 0 : i32
    %dma_start3A_101 = tpu.memref_slice %arg10[%dma_start3A_99, %dma_start3A_100] : memref<10112x128xf32, #tpu.memory_space<vmem_shared>> -> memref<10112x128xf32, #tpu.memory_space<vmem_shared>>
    %dma_start3A_102 = tpu.memref_slice %arg12[%dma_start3A_91] : memref<4x!tpu.dma_semaphore, #tpu.memory_space<semaphore_mem>> -> memref<1x!tpu.dma_semaphore, #tpu.memory_space<semaphore_mem>>
    %dma_start3A_103 = tpu.memref_squeeze %dma_start3A_102 : memref<1x!tpu.dma_semaphore, #tpu.memory_space<semaphore_mem>> -> memref<!tpu.dma_semaphore, #tpu.memory_space<semaphore_mem>>
    tpu.enqueue_indirect_dma source(%dma_start3A_95 : memref<80x128xf32, #tpu.memory_space<vmem>>) target(%dma_start3A_101 : memref<10112x128xf32, #tpu.memory_space<vmem_shared>>) offsets(%dma_start3A_98 : memref<80xi32, #tpu.memory_space<vmem>>) semaphore(%dma_start3A_103 : memref<!tpu.dma_semaphore, #tpu.memory_space<semaphore_mem>>) {add = true}
    %dma_wait3A_104 = arith.constant 3 : i32
    %dma_wait3A_105 = arith.constant 7 : i32
    %dma_wait3A_106 = arith.constant 3 : i32
    %dma_wait3A_107 = arith.constant 3 : i32
    %dma_wait3A_108 = arith.constant 0 : i32
    %dma_wait3A_109 = arith.constant 0 : i32
    %dma_wait3A_110 = tpu.memref_slice %arg9[%dma_wait3A_106, %dma_wait3A_108, %dma_wait3A_109] : memref<4x80x128xf32, #tpu.memory_space<vmem>> -> memref<1x80x128xf32, #tpu.memory_space<vmem>>
    %dma_wait3A_111 = tpu.memref_squeeze %dma_wait3A_110 : memref<1x80x128xf32, #tpu.memory_space<vmem>> -> memref<80x128xf32, #tpu.memory_space<vmem>>
    %dma_wait3A_112 = arith.constant 0 : i32
    %dma_wait3A_113 = tpu.memref_slice %arg7[%dma_wait3A_104, %dma_wait3A_105, %dma_wait3A_112] : memref<4x8x80xi32, #tpu.memory_space<vmem>> -> memref<1x1x80xi32, #tpu.memory_space<vmem>>
    %dma_wait3A_114 = tpu.memref_squeeze %dma_wait3A_113 : memref<1x1x80xi32, #tpu.memory_space<vmem>> -> memref<80xi32, #tpu.memory_space<vmem>>
    %dma_wait3A_115 = arith.constant 0 : i32
    %dma_wait3A_116 = arith.constant 0 : i32
    %dma_wait3A_117 = tpu.memref_slice %arg2[%dma_wait3A_115, %dma_wait3A_116] : memref<40000x128xf32, #tpu.memory_space<hbm>> -> memref<40000x128xf32, #tpu.memory_space<hbm>>
    %dma_wait3A_118 = tpu.memref_slice %arg11[%dma_wait3A_107] : memref<4x!tpu.dma_semaphore, #tpu.memory_space<semaphore_mem>> -> memref<1x!tpu.dma_semaphore, #tpu.memory_space<semaphore_mem>>
    %dma_wait3A_119 = tpu.memref_squeeze %dma_wait3A_118 : memref<1x!tpu.dma_semaphore, #tpu.memory_space<semaphore_mem>> -> memref<!tpu.dma_semaphore, #tpu.memory_space<semaphore_mem>>
    tpu.wait_indirect_dma semaphore(%dma_wait3A_119 : memref<!tpu.dma_semaphore, #tpu.memory_space<semaphore_mem>>) src(%dma_wait3A_117 : memref<40000x128xf32, #tpu.memory_space<hbm>>) dst(%dma_wait3A_111 : memref<80x128xf32, #tpu.memory_space<vmem>>)
    %dma_start3A_120 = arith.constant 3 : i32
    %dma_start3A_121 = arith.constant 3 : i32
    %dma_start3A_122 = arith.constant 7 : i32
    %dma_start3A_123 = arith.constant 3 : i32
    %dma_start3A_124 = arith.constant 0 : i32
    %dma_start3A_125 = arith.constant 0 : i32
    %dma_start3A_126 = tpu.memref_slice %arg9[%dma_start3A_120, %dma_start3A_124, %dma_start3A_125] : memref<4x80x128xf32, #tpu.memory_space<vmem>> -> memref<1x80x128xf32, #tpu.memory_space<vmem>>
    %dma_start3A_127 = tpu.memref_squeeze %dma_start3A_126 : memref<1x80x128xf32, #tpu.memory_space<vmem>> -> memref<80x128xf32, #tpu.memory_space<vmem>>
    %dma_start3A_128 = arith.constant 0 : i32
    %dma_start3A_129 = tpu.memref_slice %arg8[%dma_start3A_121, %dma_start3A_122, %dma_start3A_128] : memref<4x8x80xi32, #tpu.memory_space<vmem>> -> memref<1x1x80xi32, #tpu.memory_space<vmem>>
    %dma_start3A_130 = tpu.memref_squeeze %dma_start3A_129 : memref<1x1x80xi32, #tpu.memory_space<vmem>> -> memref<80xi32, #tpu.memory_space<vmem>>
    %dma_start3A_131 = arith.constant 0 : i32
    %dma_start3A_132 = arith.constant 0 : i32
    %dma_start3A_133 = tpu.memref_slice %arg10[%dma_start3A_131, %dma_start3A_132] : memref<10112x128xf32, #tpu.memory_space<vmem_shared>> -> memref<10112x128xf32, #tpu.memory_space<vmem_shared>>
    %dma_start3A_134 = tpu.memref_slice %arg12[%dma_start3A_123] : memref<4x!tpu.dma_semaphore, #tpu.memory_space<semaphore_mem>> -> memref<1x!tpu.dma_semaphore, #tpu.memory_space<semaphore_mem>>
    %dma_start3A_135 = tpu.memref_squeeze %dma_start3A_134 : memref<1x!tpu.dma_semaphore, #tpu.memory_space<semaphore_mem>> -> memref<!tpu.dma_semaphore, #tpu.memory_space<semaphore_mem>>
    tpu.enqueue_indirect_dma source(%dma_start3A_127 : memref<80x128xf32, #tpu.memory_space<vmem>>) target(%dma_start3A_133 : memref<10112x128xf32, #tpu.memory_space<vmem_shared>>) offsets(%dma_start3A_130 : memref<80xi32, #tpu.memory_space<vmem>>) semaphore(%dma_start3A_135 : memref<!tpu.dma_semaphore, #tpu.memory_space<semaphore_mem>>) {add = true}
    %dma_wait3A_136 = arith.constant 0 : i32
    %dma_wait3A_137 = arith.constant 0 : i32
    %dma_wait3A_138 = arith.constant 0 : i32
    %dma_wait3A_139 = arith.constant 0 : i32
    %dma_wait3A_140 = tpu.memref_slice %arg9[%dma_wait3A_136, %dma_wait3A_138, %dma_wait3A_139] : memref<4x80x128xf32, #tpu.memory_space<vmem>> -> memref<1x80x128xf32, #tpu.memory_space<vmem>>
    %dma_wait3A_141 = tpu.memref_squeeze %dma_wait3A_140 : memref<1x80x128xf32, #tpu.memory_space<vmem>> -> memref<80x128xf32, #tpu.memory_space<vmem>>
    %dma_wait3A_142 = arith.constant 0 : i32
    %dma_wait3A_143 = arith.constant 0 : i32
    %dma_wait3A_144 = tpu.memref_slice %arg2[%dma_wait3A_142, %dma_wait3A_143] : memref<40000x128xf32, #tpu.memory_space<hbm>> -> memref<80x128xf32, #tpu.memory_space<hbm>>
    %dma_wait3A_145 = tpu.memref_slice %arg12[%dma_wait3A_137] : memref<4x!tpu.dma_semaphore, #tpu.memory_space<semaphore_mem>> -> memref<1x!tpu.dma_semaphore, #tpu.memory_space<semaphore_mem>>
    %dma_wait3A_146 = tpu.memref_squeeze %dma_wait3A_145 : memref<1x!tpu.dma_semaphore, #tpu.memory_space<semaphore_mem>> -> memref<!tpu.dma_semaphore, #tpu.memory_space<semaphore_mem>>
    %dma_wait3A_147 = arith.constant 0 : i32
    %dma_wait3A_148 = arith.constant 0 : i32
    %dma_wait3A_149 = tpu.memref_slice %arg9[%dma_wait3A_136, %dma_wait3A_147, %dma_wait3A_148] : memref<4x80x128xf32, #tpu.memory_space<vmem>> -> memref<1x80x128xf32, #tpu.memory_space<vmem>>
    %dma_wait3A_150 = tpu.memref_squeeze %dma_wait3A_149 : memref<1x80x128xf32, #tpu.memory_space<vmem>> -> memref<80x128xf32, #tpu.memory_space<vmem>>
    %dma_wait3A_151 = arith.constant 0 : i32
    %dma_wait3A_152 = arith.constant 0 : i32
    %dma_wait3A_153 = tpu.memref_slice %arg2[%dma_wait3A_151, %dma_wait3A_152] : memref<40000x128xf32, #tpu.memory_space<hbm>> -> memref<80x128xf32, #tpu.memory_space<hbm>>
    tpu.wait_dma2 semaphore(%dma_wait3A_146 : memref<!tpu.dma_semaphore, #tpu.memory_space<semaphore_mem>>) src(%dma_wait3A_153 : memref<80x128xf32, #tpu.memory_space<hbm>>) dst(%dma_wait3A_150 : memref<80x128xf32, #tpu.memory_space<vmem>>)
    %dma_wait3A_154 = arith.constant 1 : i32
    %dma_wait3A_155 = arith.constant 1 : i32
    %dma_wait3A_156 = arith.constant 0 : i32
    %dma_wait3A_157 = arith.constant 0 : i32
    %dma_wait3A_158 = tpu.memref_slice %arg9[%dma_wait3A_154, %dma_wait3A_156, %dma_wait3A_157] : memref<4x80x128xf32, #tpu.memory_space<vmem>> -> memref<1x80x128xf32, #tpu.memory_space<vmem>>
    %dma_wait3A_159 = tpu.memref_squeeze %dma_wait3A_158 : memref<1x80x128xf32, #tpu.memory_space<vmem>> -> memref<80x128xf32, #tpu.memory_space<vmem>>
    %dma_wait3A_160 = arith.constant 0 : i32
    %dma_wait3A_161 = arith.constant 0 : i32
    %dma_wait3A_162 = tpu.memref_slice %arg2[%dma_wait3A_160, %dma_wait3A_161] : memref<40000x128xf32, #tpu.memory_space<hbm>> -> memref<80x128xf32, #tpu.memory_space<hbm>>
    %dma_wait3A_163 = tpu.memref_slice %arg12[%dma_wait3A_155] : memref<4x!tpu.dma_semaphore, #tpu.memory_space<semaphore_mem>> -> memref<1x!tpu.dma_semaphore, #tpu.memory_space<semaphore_mem>>
    %dma_wait3A_164 = tpu.memref_squeeze %dma_wait3A_163 : memref<1x!tpu.dma_semaphore, #tpu.memory_space<semaphore_mem>> -> memref<!tpu.dma_semaphore, #tpu.memory_space<semaphore_mem>>
    %dma_wait3A_165 = arith.constant 0 : i32
    %dma_wait3A_166 = arith.constant 0 : i32
    %dma_wait3A_167 = tpu.memref_slice %arg9[%dma_wait3A_154, %dma_wait3A_165, %dma_wait3A_166] : memref<4x80x128xf32, #tpu.memory_space<vmem>> -> memref<1x80x128xf32, #tpu.memory_space<vmem>>
    %dma_wait3A_168 = tpu.memref_squeeze %dma_wait3A_167 : memref<1x80x128xf32, #tpu.memory_space<vmem>> -> memref<80x128xf32, #tpu.memory_space<vmem>>
    %dma_wait3A_169 = arith.constant 0 : i32
    %dma_wait3A_170 = arith.constant 0 : i32
    %dma_wait3A_171 = tpu.memref_slice %arg2[%dma_wait3A_169, %dma_wait3A_170] : memref<40000x128xf32, #tpu.memory_space<hbm>> -> memref<80x128xf32, #tpu.memory_space<hbm>>
    tpu.wait_dma2 semaphore(%dma_wait3A_164 : memref<!tpu.dma_semaphore, #tpu.memory_space<semaphore_mem>>) src(%dma_wait3A_171 : memref<80x128xf32, #tpu.memory_space<hbm>>) dst(%dma_wait3A_168 : memref<80x128xf32, #tpu.memory_space<vmem>>)
    %dma_wait3A_172 = arith.constant 2 : i32
    %dma_wait3A_173 = arith.constant 2 : i32
    %dma_wait3A_174 = arith.constant 0 : i32
    %dma_wait3A_175 = arith.constant 0 : i32
    %dma_wait3A_176 = tpu.memref_slice %arg9[%dma_wait3A_172, %dma_wait3A_174, %dma_wait3A_175] : memref<4x80x128xf32, #tpu.memory_space<vmem>> -> memref<1x80x128xf32, #tpu.memory_space<vmem>>
    %dma_wait3A_177 = tpu.memref_squeeze %dma_wait3A_176 : memref<1x80x128xf32, #tpu.memory_space<vmem>> -> memref<80x128xf32, #tpu.memory_space<vmem>>
    %dma_wait3A_178 = arith.constant 0 : i32
    %dma_wait3A_179 = arith.constant 0 : i32
    %dma_wait3A_180 = tpu.memref_slice %arg2[%dma_wait3A_178, %dma_wait3A_179] : memref<40000x128xf32, #tpu.memory_space<hbm>> -> memref<80x128xf32, #tpu.memory_space<hbm>>
    %dma_wait3A_181 = tpu.memref_slice %arg12[%dma_wait3A_173] : memref<4x!tpu.dma_semaphore, #tpu.memory_space<semaphore_mem>> -> memref<1x!tpu.dma_semaphore, #tpu.memory_space<semaphore_mem>>
    %dma_wait3A_182 = tpu.memref_squeeze %dma_wait3A_181 : memref<1x!tpu.dma_semaphore, #tpu.memory_space<semaphore_mem>> -> memref<!tpu.dma_semaphore, #tpu.memory_space<semaphore_mem>>
    %dma_wait3A_183 = arith.constant 0 : i32
    %dma_wait3A_184 = arith.constant 0 : i32
    %dma_wait3A_185 = tpu.memref_slice %arg9[%dma_wait3A_172, %dma_wait3A_183, %dma_wait3A_184] : memref<4x80x128xf32, #tpu.memory_space<vmem>> -> memref<1x80x128xf32, #tpu.memory_space<vmem>>
    %dma_wait3A_186 = tpu.memref_squeeze %dma_wait3A_185 : memref<1x80x128xf32, #tpu.memory_space<vmem>> -> memref<80x128xf32, #tpu.memory_space<vmem>>
    %dma_wait3A_187 = arith.constant 0 : i32
    %dma_wait3A_188 = arith.constant 0 : i32
    %dma_wait3A_189 = tpu.memref_slice %arg2[%dma_wait3A_187, %dma_wait3A_188] : memref<40000x128xf32, #tpu.memory_space<hbm>> -> memref<80x128xf32, #tpu.memory_space<hbm>>
    tpu.wait_dma2 semaphore(%dma_wait3A_182 : memref<!tpu.dma_semaphore, #tpu.memory_space<semaphore_mem>>) src(%dma_wait3A_189 : memref<80x128xf32, #tpu.memory_space<hbm>>) dst(%dma_wait3A_186 : memref<80x128xf32, #tpu.memory_space<vmem>>)
    %dma_wait3A_190 = arith.constant 3 : i32
    %dma_wait3A_191 = arith.constant 3 : i32
    %dma_wait3A_192 = arith.constant 0 : i32
    %dma_wait3A_193 = arith.constant 0 : i32
    %dma_wait3A_194 = tpu.memref_slice %arg9[%dma_wait3A_190, %dma_wait3A_192, %dma_wait3A_193] : memref<4x80x128xf32, #tpu.memory_space<vmem>> -> memref<1x80x128xf32, #tpu.memory_space<vmem>>
    %dma_wait3A_195 = tpu.memref_squeeze %dma_wait3A_194 : memref<1x80x128xf32, #tpu.memory_space<vmem>> -> memref<80x128xf32, #tpu.memory_space<vmem>>
    %dma_wait3A_196 = arith.constant 0 : i32
    %dma_wait3A_197 = arith.constant 0 : i32
    %dma_wait3A_198 = tpu.memref_slice %arg2[%dma_wait3A_196, %dma_wait3A_197] : memref<40000x128xf32, #tpu.memory_space<hbm>> -> memref<80x128xf32, #tpu.memory_space<hbm>>
    %dma_wait3A_199 = tpu.memref_slice %arg12[%dma_wait3A_191] : memref<4x!tpu.dma_semaphore, #tpu.memory_space<semaphore_mem>> -> memref<1x!tpu.dma_semaphore, #tpu.memory_space<semaphore_mem>>
    %dma_wait3A_200 = tpu.memref_squeeze %dma_wait3A_199 : memref<1x!tpu.dma_semaphore, #tpu.memory_space<semaphore_mem>> -> memref<!tpu.dma_semaphore, #tpu.memory_space<semaphore_mem>>
    %dma_wait3A_201 = arith.constant 0 : i32
    %dma_wait3A_202 = arith.constant 0 : i32
    %dma_wait3A_203 = tpu.memref_slice %arg9[%dma_wait3A_190, %dma_wait3A_201, %dma_wait3A_202] : memref<4x80x128xf32, #tpu.memory_space<vmem>> -> memref<1x80x128xf32, #tpu.memory_space<vmem>>
    %dma_wait3A_204 = tpu.memref_squeeze %dma_wait3A_203 : memref<1x80x128xf32, #tpu.memory_space<vmem>> -> memref<80x128xf32, #tpu.memory_space<vmem>>
    %dma_wait3A_205 = arith.constant 0 : i32
    %dma_wait3A_206 = arith.constant 0 : i32
    %dma_wait3A_207 = tpu.memref_slice %arg2[%dma_wait3A_205, %dma_wait3A_206] : memref<40000x128xf32, #tpu.memory_space<hbm>> -> memref<80x128xf32, #tpu.memory_space<hbm>>
    tpu.wait_dma2 semaphore(%dma_wait3A_200 : memref<!tpu.dma_semaphore, #tpu.memory_space<semaphore_mem>>) src(%dma_wait3A_207 : memref<80x128xf32, #tpu.memory_space<hbm>>) dst(%dma_wait3A_204 : memref<80x128xf32, #tpu.memory_space<vmem>>)
    %barrier3A_208 = arith.constant 0 : index
    tpu.barrier barrier_id(%barrier3A_208)
    "tpu.region"() ({
      %run_scoped3A = tpu.sem_alloc : memref<!tpu.dma_semaphore, #tpu.memory_space<semaphore_mem>>
      %dma_start3A_209 = arith.constant 0 : i32
      %dma_start3A_210 = tpu.memref_slice %arg6[%arg0, %mul3A_2, %dma_start3A_209] : memref<2x10112x128xf32, #tpu.memory_space<hbm>> -> memref<1x632x128xf32, #tpu.memory_space<hbm>>
      %dma_start3A_211 = tpu.memref_squeeze %dma_start3A_210 : memref<1x632x128xf32, #tpu.memory_space<hbm>> -> memref<632x128xf32, #tpu.memory_space<hbm>>
      %dma_start3A_212 = arith.constant 0 : i32
      %dma_start3A_213 = tpu.memref_slice %arg10[%mul3A_2, %dma_start3A_212] : memref<10112x128xf32, #tpu.memory_space<vmem_shared>> -> memref<632x128xf32, #tpu.memory_space<vmem_shared>>
      tpu.enqueue_dma source(%dma_start3A_213 : memref<632x128xf32, #tpu.memory_space<vmem_shared>>) target(%dma_start3A_211 : memref<632x128xf32, #tpu.memory_space<hbm>>) target_semaphore(%run_scoped3A : memref<!tpu.dma_semaphore, #tpu.memory_space<semaphore_mem>>)
      %dma_wait3A_214 = arith.constant 0 : i32
      %dma_wait3A_215 = tpu.memref_slice %arg6[%arg0, %mul3A_2, %dma_wait3A_214] : memref<2x10112x128xf32, #tpu.memory_space<hbm>> -> memref<1x632x128xf32, #tpu.memory_space<hbm>>
      %dma_wait3A_216 = tpu.memref_squeeze %dma_wait3A_215 : memref<1x632x128xf32, #tpu.memory_space<hbm>> -> memref<632x128xf32, #tpu.memory_space<hbm>>
      %dma_wait3A_217 = arith.constant 0 : i32
      %dma_wait3A_218 = tpu.memref_slice %arg10[%mul3A_2, %dma_wait3A_217] : memref<10112x128xf32, #tpu.memory_space<vmem_shared>> -> memref<632x128xf32, #tpu.memory_space<vmem_shared>>
      tpu.wait_dma2 semaphore(%run_scoped3A : memref<!tpu.dma_semaphore, #tpu.memory_space<semaphore_mem>>) src(%dma_wait3A_218 : memref<632x128xf32, #tpu.memory_space<vmem_shared>>) dst(%dma_wait3A_216 : memref<632x128xf32, #tpu.memory_space<hbm>>)
      tpu.yield
    }) : () -> ()
    return
  }
}

module attributes {stable_mosaic.version = 14 : i64} {
  func.func @body(%arg0: i32, %arg1: memref<2000x128xf32, #tpu.memory_space<vmem>>, %arg2: memref<4x128x128xf32, #tpu.memory_space<vmem>>, %arg3: memref<4x1x128xf32, #tpu.memory_space<vmem>>, %arg4: memref<4x2000x128xf32, #tpu.memory_space<vmem>>) attributes {dimension_semantics = [#tpu.dimension_semantics<arbitrary>], iteration_bounds = array<i64: 5>, scalar_prefetch = 0 : i64, scratch_operands = 0 : i64, tpu.core_type = #tpu.core_type<tc>, window_params = [{transform_indices = @transform_0, window_bounds = array<i64: 2000, 128>}, {pipeline_mode = #tpu.pipeline_mode<synchronous>, transform_indices = @transform_1, window_bounds = array<i64: 4, 128, 128>}, {pipeline_mode = #tpu.pipeline_mode<synchronous>, transform_indices = @transform_2, window_bounds = array<i64: 4, 1, 128>}, {transform_indices = @transform_3, window_bounds = array<i64: 4, 2000, 128>}]} {
    %get3A = arith.constant 0 : index
    %get3A_0 = arith.constant 0 : index
    %get3A_1 = vector.load %arg1[%get3A, %get3A_0] : memref<2000x128xf32, #tpu.memory_space<vmem>>, vector<2000x128xf32>
    %get3A_2 = arith.constant 0 : index
    %get3A_3 = arith.constant 0 : index
    %get3A_4 = arith.constant 0 : index
    %get3A_5 = vector.load %arg2[%get3A_2, %get3A_3, %get3A_4] : memref<4x128x128xf32, #tpu.memory_space<vmem>>, vector<1x128x128xf32>
    %get3A_6 = vector.shape_cast %get3A_5 : vector<1x128x128xf32> to vector<128x128xf32>
    %dot_general3A = arith.constant dense<0.000000e+00> : vector<2000x128xf32>
    %dot_general3A_7 = tpu.matmul %get3A_1, %get3A_6, %dot_general3A {dimension_numbers = #tpu.dot_dimension_numbers<[1], [1], [0], [0], [0, 0, 1, 0], [], []>, transpose_lhs_hint = false} : vector<2000x128xf32>, vector<128x128xf32>, vector<2000x128xf32> -> vector<2000x128xf32>
    %get3A_8 = arith.constant 0 : index
    %get3A_9 = arith.constant 0 : index
    %get3A_10 = arith.constant 0 : index
    %get3A_11 = vector.load %arg3[%get3A_8, %get3A_9, %get3A_10] : memref<4x1x128xf32, #tpu.memory_space<vmem>>, vector<1x1x128xf32>
    %get3A_12 = vector.shape_cast %get3A_11 : vector<1x1x128xf32> to vector<1x128xf32>
    %add3A = vector.broadcast %get3A_12 : vector<1x128xf32> to vector<2000x128xf32>
    %add3A_13 = arith.addf %dot_general3A_7, %add3A : vector<2000x128xf32>
    %swap3A = arith.constant 0 : index
    %swap3A_14 = arith.constant 0 : index
    %swap3A_15 = arith.constant 0 : index
    %swap3A_16 = vector.load %arg4[%swap3A, %swap3A_14, %swap3A_15] : memref<4x2000x128xf32, #tpu.memory_space<vmem>>, vector<1x2000x128xf32>
    %swap3A_17 = vector.shape_cast %swap3A_16 : vector<1x2000x128xf32> to vector<2000x128xf32>
    %swap3A_18 = vector.shape_cast %add3A_13 : vector<2000x128xf32> to vector<1x2000x128xf32>
    tpu.vector_store %arg4[%swap3A, %swap3A_14, %swap3A_15], %swap3A_18 {strides = array<i32>} : memref<4x2000x128xf32, #tpu.memory_space<vmem>>, vector<1x2000x128xf32>,
    %get3A_19 = arith.constant 1 : index
    %get3A_20 = arith.constant 0 : index
    %get3A_21 = arith.constant 0 : index
    %get3A_22 = vector.load %arg2[%get3A_19, %get3A_20, %get3A_21] : memref<4x128x128xf32, #tpu.memory_space<vmem>>, vector<1x128x128xf32>
    %get3A_23 = vector.shape_cast %get3A_22 : vector<1x128x128xf32> to vector<128x128xf32>
    %dot_general3A_24 = arith.constant dense<0.000000e+00> : vector<2000x128xf32>
    %dot_general3A_25 = tpu.matmul %get3A_1, %get3A_23, %dot_general3A_24 {dimension_numbers = #tpu.dot_dimension_numbers<[1], [1], [0], [0], [0, 0, 1, 0], [], []>, transpose_lhs_hint = false} : vector<2000x128xf32>, vector<128x128xf32>, vector<2000x128xf32> -> vector<2000x128xf32>
    %get3A_26 = arith.constant 1 : index
    %get3A_27 = arith.constant 0 : index
    %get3A_28 = arith.constant 0 : index
    %get3A_29 = vector.load %arg3[%get3A_26, %get3A_27, %get3A_28] : memref<4x1x128xf32, #tpu.memory_space<vmem>>, vector<1x1x128xf32>
    %get3A_30 = vector.shape_cast %get3A_29 : vector<1x1x128xf32> to vector<1x128xf32>
    %add3A_31 = vector.broadcast %get3A_30 : vector<1x128xf32> to vector<2000x128xf32>
    %add3A_32 = arith.addf %dot_general3A_25, %add3A_31 : vector<2000x128xf32>
    %swap3A_33 = arith.constant 1 : index
    %swap3A_34 = arith.constant 0 : index
    %swap3A_35 = arith.constant 0 : index
    %swap3A_36 = vector.load %arg4[%swap3A_33, %swap3A_34, %swap3A_35] : memref<4x2000x128xf32, #tpu.memory_space<vmem>>, vector<1x2000x128xf32>
    %swap3A_37 = vector.shape_cast %swap3A_36 : vector<1x2000x128xf32> to vector<2000x128xf32>
    %swap3A_38 = vector.shape_cast %add3A_32 : vector<2000x128xf32> to vector<1x2000x128xf32>
    tpu.vector_store %arg4[%swap3A_33, %swap3A_34, %swap3A_35], %swap3A_38 {strides = array<i32>} : memref<4x2000x128xf32, #tpu.memory_space<vmem>>, vector<1x2000x128xf32>,
    %get3A_39 = arith.constant 2 : index
    %get3A_40 = arith.constant 0 : index
    %get3A_41 = arith.constant 0 : index
    %get3A_42 = vector.load %arg2[%get3A_39, %get3A_40, %get3A_41] : memref<4x128x128xf32, #tpu.memory_space<vmem>>, vector<1x128x128xf32>
    %get3A_43 = vector.shape_cast %get3A_42 : vector<1x128x128xf32> to vector<128x128xf32>
    %dot_general3A_44 = arith.constant dense<0.000000e+00> : vector<2000x128xf32>
    %dot_general3A_45 = tpu.matmul %get3A_1, %get3A_43, %dot_general3A_44 {dimension_numbers = #tpu.dot_dimension_numbers<[1], [1], [0], [0], [0, 0, 1, 0], [], []>, transpose_lhs_hint = false} : vector<2000x128xf32>, vector<128x128xf32>, vector<2000x128xf32> -> vector<2000x128xf32>
    %get3A_46 = arith.constant 2 : index
    %get3A_47 = arith.constant 0 : index
    %get3A_48 = arith.constant 0 : index
    %get3A_49 = vector.load %arg3[%get3A_46, %get3A_47, %get3A_48] : memref<4x1x128xf32, #tpu.memory_space<vmem>>, vector<1x1x128xf32>
    %get3A_50 = vector.shape_cast %get3A_49 : vector<1x1x128xf32> to vector<1x128xf32>
    %add3A_51 = vector.broadcast %get3A_50 : vector<1x128xf32> to vector<2000x128xf32>
    %add3A_52 = arith.addf %dot_general3A_45, %add3A_51 : vector<2000x128xf32>
    %swap3A_53 = arith.constant 2 : index
    %swap3A_54 = arith.constant 0 : index
    %swap3A_55 = arith.constant 0 : index
    %swap3A_56 = vector.load %arg4[%swap3A_53, %swap3A_54, %swap3A_55] : memref<4x2000x128xf32, #tpu.memory_space<vmem>>, vector<1x2000x128xf32>
    %swap3A_57 = vector.shape_cast %swap3A_56 : vector<1x2000x128xf32> to vector<2000x128xf32>
    %swap3A_58 = vector.shape_cast %add3A_52 : vector<2000x128xf32> to vector<1x2000x128xf32>
    tpu.vector_store %arg4[%swap3A_53, %swap3A_54, %swap3A_55], %swap3A_58 {strides = array<i32>} : memref<4x2000x128xf32, #tpu.memory_space<vmem>>, vector<1x2000x128xf32>,
    %get3A_59 = arith.constant 3 : index
    %get3A_60 = arith.constant 0 : index
    %get3A_61 = arith.constant 0 : index
    %get3A_62 = vector.load %arg2[%get3A_59, %get3A_60, %get3A_61] : memref<4x128x128xf32, #tpu.memory_space<vmem>>, vector<1x128x128xf32>
    %get3A_63 = vector.shape_cast %get3A_62 : vector<1x128x128xf32> to vector<128x128xf32>
    %dot_general3A_64 = arith.constant dense<0.000000e+00> : vector<2000x128xf32>
    %dot_general3A_65 = tpu.matmul %get3A_1, %get3A_63, %dot_general3A_64 {dimension_numbers = #tpu.dot_dimension_numbers<[1], [1], [0], [0], [0, 0, 1, 0], [], []>, transpose_lhs_hint = false} : vector<2000x128xf32>, vector<128x128xf32>, vector<2000x128xf32> -> vector<2000x128xf32>
    %get3A_66 = arith.constant 3 : index
    %get3A_67 = arith.constant 0 : index
    %get3A_68 = arith.constant 0 : index
    %get3A_69 = vector.load %arg3[%get3A_66, %get3A_67, %get3A_68] : memref<4x1x128xf32, #tpu.memory_space<vmem>>, vector<1x1x128xf32>
    %get3A_70 = vector.shape_cast %get3A_69 : vector<1x1x128xf32> to vector<1x128xf32>
    %add3A_71 = vector.broadcast %get3A_70 : vector<1x128xf32> to vector<2000x128xf32>
    %add3A_72 = arith.addf %dot_general3A_65, %add3A_71 : vector<2000x128xf32>
    %swap3A_73 = arith.constant 3 : index
    %swap3A_74 = arith.constant 0 : index
    %swap3A_75 = arith.constant 0 : index
    %swap3A_76 = vector.load %arg4[%swap3A_73, %swap3A_74, %swap3A_75] : memref<4x2000x128xf32, #tpu.memory_space<vmem>>, vector<1x2000x128xf32>
    %swap3A_77 = vector.shape_cast %swap3A_76 : vector<1x2000x128xf32> to vector<2000x128xf32>
    %swap3A_78 = vector.shape_cast %add3A_72 : vector<2000x128xf32> to vector<1x2000x128xf32>
    tpu.vector_store %arg4[%swap3A_73, %swap3A_74, %swap3A_75], %swap3A_78 {strides = array<i32>} : memref<4x2000x128xf32, #tpu.memory_space<vmem>>, vector<1x2000x128xf32>,
    return
  }
  func.func @transform_0(%arg0: i32) -> (i32, i32) {
    %c0_i32 = arith.constant 0 : i32
    %c0_i32_0 = arith.constant 0 : i32
    return %arg0, %c0_i32 : i32, i32
  }
  func.func @transform_1(%arg0: i32) -> (i32, i32, i32) {
    %c0_i32 = arith.constant 0 : i32
    %c0_i32_0 = arith.constant 0 : i32
    %c0_i32_1 = arith.constant 0 : i32
    %c0_i32_2 = arith.constant 0 : i32
    return %c0_i32, %c0_i32_0, %c0_i32_1 : i32, i32, i32
  }
  func.func @transform_2(%arg0: i32) -> (i32, i32, i32) {
    %c0_i32 = arith.constant 0 : i32
    %c0_i32_0 = arith.constant 0 : i32
    %c0_i32_1 = arith.constant 0 : i32
    %c0_i32_2 = arith.constant 0 : i32
    return %c0_i32, %c0_i32_0, %c0_i32_1 : i32, i32, i32
  }
  func.func @transform_3(%arg0: i32) -> (i32, i32, i32) {
    %c0_i32 = arith.constant 0 : i32
    %c0_i32_0 = arith.constant 0 : i32
    %c0_i32_1 = arith.constant 0 : i32
    return %c0_i32, %arg0, %c0_i32_0 : i32, i32, i32
  }
}

module attributes {stable_mosaic.version = 14 : i64} {
  func.func @body(%arg0: i32, %arg1: memref<2x2000x128xf32, #tpu.memory_space<vmem>>, %arg2: memref<2000x128xf32, #tpu.memory_space<vmem>>, %arg3: memref<384x128xf32, #tpu.memory_space<vmem>>, %arg4: memref<384x128xf32, #tpu.memory_space<vmem>>, %arg5: memref<1x1x384xf32, #tpu.memory_space<vmem>>, %arg6: memref<1x1x384xf32, #tpu.memory_space<vmem>>, %arg7: memref<2000x128xf32, #tpu.memory_space<vmem>>) attributes {dimension_semantics = [#tpu.dimension_semantics<arbitrary>], iteration_bounds = array<i64: 5>, scalar_prefetch = 0 : i64, scratch_operands = 0 : i64, tpu.core_type = #tpu.core_type<tc>, window_params = [{transform_indices = @transform_0, window_bounds = array<i64: 2, 2000, 128>}, {transform_indices = @transform_1, window_bounds = array<i64: 2000, 128>}, {pipeline_mode = #tpu.pipeline_mode<synchronous>, transform_indices = @transform_2, window_bounds = array<i64: 384, 128>}, {pipeline_mode = #tpu.pipeline_mode<synchronous>, transform_indices = @transform_3, window_bounds = array<i64: 384, 128>}, {pipeline_mode = #tpu.pipeline_mode<synchronous>, transform_indices = @transform_4, window_bounds = array<i64: 1, 1, 384>}, {pipeline_mode = #tpu.pipeline_mode<synchronous>, transform_indices = @transform_5, window_bounds = array<i64: 1, 1, 384>}, {transform_indices = @transform_6, window_bounds = array<i64: 2000, 128>}]} {
    %get3A = arith.constant 0 : index
    %get3A_0 = arith.constant 0 : index
    %get3A_1 = arith.constant 0 : index
    %get3A_2 = vector.load %arg1[%get3A, %get3A_0, %get3A_1] : memref<2x2000x128xf32, #tpu.memory_space<vmem>>, vector<1x2000x128xf32>
    %get3A_3 = vector.shape_cast %get3A_2 : vector<1x2000x128xf32> to vector<2000x128xf32>
    %get3A_4 = arith.constant 1 : index
    %get3A_5 = arith.constant 0 : index
    %get3A_6 = arith.constant 0 : index
    %get3A_7 = vector.load %arg1[%get3A_4, %get3A_5, %get3A_6] : memref<2x2000x128xf32, #tpu.memory_space<vmem>>, vector<1x2000x128xf32>
    %get3A_8 = vector.shape_cast %get3A_7 : vector<1x2000x128xf32> to vector<2000x128xf32>
    %add3A = arith.addf %get3A_3, %get3A_8 : vector<2000x128xf32>
    %get3A_9 = arith.constant 0 : index
    %get3A_10 = arith.constant 0 : index
    %get3A_11 = vector.load %arg2[%get3A_9, %get3A_10] : memref<2000x128xf32, #tpu.memory_space<vmem>>, vector<2000x128xf32>
    %get3A_12 = arith.constant 0 : index
    %get3A_13 = arith.constant 0 : index
    %get3A_14 = vector.load %arg3[%get3A_12, %get3A_13] : memref<384x128xf32, #tpu.memory_space<vmem>>, vector<384x128xf32>
    %dot_general3A = arith.constant dense<0.000000e+00> : vector<2000x384xf32>
    %dot_general3A_15 = tpu.matmul %add3A, %get3A_14, %dot_general3A {dimension_numbers = #tpu.dot_dimension_numbers<[1], [1], [0], [0], [0, 0, 1, 0], [], []>, transpose_lhs_hint = false} : vector<2000x128xf32>, vector<384x128xf32>, vector<2000x384xf32> -> vector<2000x384xf32>
    %get3A_16 = arith.constant 0 : index
    %get3A_17 = arith.constant 0 : index
    %get3A_18 = arith.constant 0 : index
    %get3A_19 = vector.load %arg5[%get3A_16, %get3A_17, %get3A_18] : memref<1x1x384xf32, #tpu.memory_space<vmem>>, vector<1x1x384xf32>
    %get3A_20 = vector.shape_cast %get3A_19 : vector<1x1x384xf32> to vector<1x384xf32>
    %add3A_21 = vector.broadcast %get3A_20 : vector<1x384xf32> to vector<2000x384xf32>
    %add3A_22 = arith.addf %dot_general3A_15, %add3A_21 : vector<2000x384xf32>
    %get3A_23 = arith.constant 0 : index
    %get3A_24 = arith.constant 0 : index
    %get3A_25 = vector.load %arg4[%get3A_23, %get3A_24] : memref<384x128xf32, #tpu.memory_space<vmem>>, vector<384x128xf32>
    %dot_general3A_26 = arith.constant dense<0.000000e+00> : vector<2000x384xf32>
    %dot_general3A_27 = tpu.matmul %get3A_11, %get3A_25, %dot_general3A_26 {dimension_numbers = #tpu.dot_dimension_numbers<[1], [1], [0], [0], [0, 0, 1, 0], [], []>, transpose_lhs_hint = false} : vector<2000x128xf32>, vector<384x128xf32>, vector<2000x384xf32> -> vector<2000x384xf32>
    %get3A_28 = arith.constant 0 : index
    %get3A_29 = arith.constant 0 : index
    %get3A_30 = arith.constant 0 : index
    %get3A_31 = vector.load %arg6[%get3A_28, %get3A_29, %get3A_30] : memref<1x1x384xf32, #tpu.memory_space<vmem>>, vector<1x1x384xf32>
    %get3A_32 = vector.shape_cast %get3A_31 : vector<1x1x384xf32> to vector<1x384xf32>
    %add3A_33 = vector.broadcast %get3A_32 : vector<1x384xf32> to vector<2000x384xf32>
    %add3A_34 = arith.addf %dot_general3A_27, %add3A_33 : vector<2000x384xf32>
    %slice3A = vector.extract_strided_slice %add3A_22 {offsets = [0, 0], sizes = [2000, 128], strides = [1, 1]} : vector<2000x384xf32> to vector<2000x128xf32>
    %slice3A_35 = vector.extract_strided_slice %add3A_34 {offsets = [0, 0], sizes = [2000, 128], strides = [1, 1]} : vector<2000x384xf32> to vector<2000x128xf32>
    %add3A_36 = arith.addf %slice3A, %slice3A_35 : vector<2000x128xf32>
    %logistic3A = arith.negf %add3A_36 : vector<2000x128xf32>
    %logistic3A_37 = math.exp %logistic3A : vector<2000x128xf32>
    %logistic3A_38 = arith.constant 1.000000e+00 : f32
    %logistic3A_39 = vector.broadcast %logistic3A_38 : f32 to vector<2000x128xf32>
    %logistic3A_40 = arith.addf %logistic3A_39, %logistic3A_37 : vector<2000x128xf32>
    %logistic3A_41 = arith.divf %logistic3A_39, %logistic3A_40 : vector<2000x128xf32>
    %slice3A_42 = vector.extract_strided_slice %add3A_22 {offsets = [0, 128], sizes = [2000, 128], strides = [1, 1]} : vector<2000x384xf32> to vector<2000x128xf32>
    %slice3A_43 = vector.extract_strided_slice %add3A_34 {offsets = [0, 128], sizes = [2000, 128], strides = [1, 1]} : vector<2000x384xf32> to vector<2000x128xf32>
    %add3A_44 = arith.addf %slice3A_42, %slice3A_43 : vector<2000x128xf32>
    %logistic3A_45 = arith.negf %add3A_44 : vector<2000x128xf32>
    %logistic3A_46 = math.exp %logistic3A_45 : vector<2000x128xf32>
    %logistic3A_47 = arith.constant 1.000000e+00 : f32
    %logistic3A_48 = vector.broadcast %logistic3A_47 : f32 to vector<2000x128xf32>
    %logistic3A_49 = arith.addf %logistic3A_48, %logistic3A_46 : vector<2000x128xf32>
    %logistic3A_50 = arith.divf %logistic3A_48, %logistic3A_49 : vector<2000x128xf32>
    %slice3A_51 = vector.extract_strided_slice %add3A_22 {offsets = [0, 256], sizes = [2000, 128], strides = [1, 1]} : vector<2000x384xf32> to vector<2000x128xf32>
    %slice3A_52 = vector.extract_strided_slice %add3A_34 {offsets = [0, 256], sizes = [2000, 128], strides = [1, 1]} : vector<2000x384xf32> to vector<2000x128xf32>
    %mul3A = arith.mulf %logistic3A_41, %slice3A_52 : vector<2000x128xf32>
    %add3A_53 = arith.addf %slice3A_51, %mul3A : vector<2000x128xf32>
    %tanh3A = math.tanh %add3A_53 : vector<2000x128xf32>
    %sub3A = arith.constant 1.000000e+00 : f32
    %sub3A_54 = vector.broadcast %sub3A : f32 to vector<2000x128xf32>
    %sub3A_55 = arith.subf %sub3A_54, %logistic3A_50 : vector<2000x128xf32>
    %mul3A_56 = arith.mulf %sub3A_55, %tanh3A : vector<2000x128xf32>
    %mul3A_57 = arith.mulf %logistic3A_50, %get3A_11 : vector<2000x128xf32>
    %add3A_58 = arith.addf %mul3A_56, %mul3A_57 : vector<2000x128xf32>
    %swap3A = arith.constant 0 : index
    %swap3A_59 = arith.constant 0 : index
    %swap3A_60 = vector.load %arg7[%swap3A, %swap3A_59] : memref<2000x128xf32, #tpu.memory_space<vmem>>, vector<2000x128xf32>
    tpu.vector_store %arg7[%swap3A, %swap3A_59], %add3A_58 {strides = array<i32>} : memref<2000x128xf32, #tpu.memory_space<vmem>>, vector<2000x128xf32>,
    return
  }
  func.func @transform_0(%arg0: i32) -> (i32, i32, i32) {
    %c0_i32 = arith.constant 0 : i32
    %c0_i32_0 = arith.constant 0 : i32
    %c0_i32_1 = arith.constant 0 : i32
    return %c0_i32, %arg0, %c0_i32_0 : i32, i32, i32
  }
  func.func @transform_1(%arg0: i32) -> (i32, i32) {
    %c0_i32 = arith.constant 0 : i32
    %c0_i32_0 = arith.constant 0 : i32
    return %arg0, %c0_i32 : i32, i32
  }
  func.func @transform_2(%arg0: i32) -> (i32, i32) {
    %c0_i32 = arith.constant 0 : i32
    %c0_i32_0 = arith.constant 0 : i32
    %c0_i32_1 = arith.constant 0 : i32
    return %c0_i32, %c0_i32_0 : i32, i32
  }
  func.func @transform_3(%arg0: i32) -> (i32, i32) {
    %c0_i32 = arith.constant 0 : i32
    %c0_i32_0 = arith.constant 0 : i32
    %c0_i32_1 = arith.constant 0 : i32
    return %c0_i32, %c0_i32_0 : i32, i32
  }
  func.func @transform_4(%arg0: i32) -> (i32, i32, i32) {
    %c0_i32 = arith.constant 0 : i32
    %c0_i32_0 = arith.constant 0 : i32
    %c0_i32_1 = arith.constant 0 : i32
    %c0_i32_2 = arith.constant 0 : i32
    return %c0_i32, %c0_i32_0, %c0_i32_1 : i32, i32, i32
  }
  func.func @transform_5(%arg0: i32) -> (i32, i32, i32) {
    %c0_i32 = arith.constant 0 : i32
    %c0_i32_0 = arith.constant 0 : i32
    %c0_i32_1 = arith.constant 0 : i32
    %c0_i32_2 = arith.constant 0 : i32
    return %c0_i32, %c0_i32_0, %c0_i32_1 : i32, i32, i32
  }
  func.func @transform_6(%arg0: i32) -> (i32, i32) {
    %c0_i32 = arith.constant 0 : i32
    %c0_i32_0 = arith.constant 0 : i32
    return %arg0, %c0_i32 : i32, i32
  }
}

</mosaic_0001>

<sc_bundles>
// kernel: kernel.5.cloned.1.call-start
scs
__scs_entry_jumppad:
0x0: {  	(pc) =	sbr.rel $0x88, $3  }
0x1: {  	(tag) =	ssettag $0x0;
	lr =	simm.s32 $0x1  }
0x2: {  	[smem:$0x3F98] =	sst lr;
	_ =	strace $0xD0000000  }
0x3: {  	_ = 	snop  }
0x4: {  	_ = 	snop  }
0x5: {  	_ = 	snop  }
0x6: {  	_ = 	snop  }
0x7: {  	_ = 	snop  }
__scs_overlays_trampoline_lowered:
0x8: {  	[smem:$0x3FA7] =	sst s0  }
0x9: {  	[smem:$0x3FA8] =	sst s1  }
0xa: {  	[smem:$0x3FA9] =	sst s2  }
0xb: {  	[smem:$0x3FAA] =	sst s3  }
0xc: {  	[smem:$0x3FAB] =	sst s4  }
0xd: {  	[smem:$0x3FAC] =	sst s5  }
0xe: {  	[smem:$0x3FAD] =	sst s6  }
0xf: {  	[smem:$0x3FAE] =	sst s7  }
0x10: {  	[smem:$0x3FAF] =	sst s8  }
0x11: {  	[smem:$0x3FB0] =	sst s9;
	s0 =	simm.s32 @!p0 $0x0  }
0x12: {  	s1 =	sld [smem:$0x3F96];
	s0 =	simm.s32 @p0 $0x1  }
0x13: {  	[smem:$0x3FB1] =	sst s0;
	s0 =	simm.s32 @!p1 $0x0  }
0x14: {  	s2 =	sld [smem:$0x3F95];
	s0 =	simm.s32 @p1 $0x1  }
0x15: {  	[smem:$0x3FB2] =	sst s0;
	s0 =	simm.s32 @!p2 $0x0  }
0x16: {  	s3 =	sld [smem:$0x3FDB];
	s0 =	simm.s32 @p2 $0x1  }
0x17: {  	s4 =	simm.s32 $0x1BF5;
	[smem:$0x3FB4] =	sst s0  }
0x18: {  	s0 =	sld [smem:$0x3F97];
	_ =	swait.ge [sflag:s4], $0x0  }
0x19: {  	s7 =	sld [smem:$0x3F98]  }
0x1a: {  	s8 =	sadd.s32 $0xFFFFE003, lr  }
0x1b: {  	s9 =	sadd.s32 $0xFFFFFEF7, lr;
	s5 =	simm.s32 $0xFFFFFFFF;
	p2 =	slt.u32 s8, $0xFFFFF086  }
0x1c: {  	p1 =	slt.u32 s9, $0xF7A;
	s5 =	simm.s32 @!p2 $0x0  }
0x1d: {  	s5 =	simm.s32 @p1 $0x1;
	p0 =	seq.s32 s7, s2  }
0x1e: {  	s7 =	smul.u32 @!p0 $0xF7A, s2;
	p2 =	seq.s32 @!p0 s5, $0x0  }
0x1f: {  	s9 =	smul.u32 $0xF7A, s1;
	s8 =	simm.s32 @!p0 $0x1BF5;
	p2 =	por !p2, p0  }
0x20: {  	[sflag:s8] =	ssyncset.s32 @!p0 $0xFFFFF086;
	s6 =	sadd.s32 @!p0 s3, s7;
	s7 =	simm.s32 @!p0 $0x108  }
0x21: {  	s3 =	sadd.s32 s3, s9;
	s6 =	sadd.s32 @!p0 $0x88, s6;
	s7 =	simm.s32 @p2 $0x1082  }
0x22: {  	[simem:s7], [sflag:s8] =	dma.local @!p0 [hbm:s6], $0xF7A  }
0x23: {  	s9 =	sor.u32 $0xD0000000, s2;
	s6 =	simm.s32 $0x108;
	_ =	swait.ge @!p0 [sflag:s8], $0x0  }
0x24: {  	s3 =	sadd.s32 $0x88, s3;
	s6 =	simm.s32 @!p1 $0x1082;
	[sflag:s4] =	ssyncset.s32 $0xFFFFF086  }
0x25: {  	[simem:s6], [sflag:s4] =	dma.local [hbm:s3], $0xF7A  }
0x26: {  	[smem:$0x3F98] =	sst s1;
	(tag) =	ssettag s2;
	_ =	strace s9  }
0x27: {  	s1 =	sld [smem:$0x3FA8]  }
0x28: {  	s2 =	sld [smem:$0x3FA9]  }
0x29: {  	s4 =	sld [smem:$0x3FAB]  }
0x2a: {  	p0 =	seq.s32 s5, $0x0;
	s5 =	sld [smem:$0x3FAC]  }
0x2b: {  	s6 =	sld [smem:$0x3FAD]  }
0x2c: {  	s7 =	sld [smem:$0x3FAE]  }
0x2d: {  	s3 =	simm.s32 $0x108;
	s8 =	sld [smem:$0x3FAF]  }
0x2e: {  	s3 =	simm.s32 @!p0 $0x1082;
	s9 =	sld [smem:$0x3FB0]  }
0x2f: {  	lr =	sadd.s32 s0, s3;
	s0 =	sld [smem:$0x3FA7]  }
0x30: {  	s3 =	sld [smem:$0x3FAA]  }
0x31: {  	[smem:$0x3FB3] =	sst s10  }
0x32: {  	s10 =	sld [smem:$0x3FB1];
	_ =	sdelay $0x3  }
0x33: {  	p0 =	seq.s32 s10, $0x1;
	s10 =	sld [smem:$0x3FB3];
	_ =	sdelay $0x3  }
0x34: {  	[smem:$0x3FB3] =	sst s10  }
0x35: {  	s10 =	sld [smem:$0x3FB2];
	_ =	sdelay $0x3  }
0x36: {  	p1 =	seq.s32 s10, $0x1;
	s10 =	sld [smem:$0x3FB3];
	_ =	sdelay $0x3  }
0x37: {  	[smem:$0x3FB3] =	sst s10  }
0x38: {  	s10 =	sld [smem:$0x3FB4]  }
0x39: {  	_ = 	snop;
	(pc) =	sbr.ind lr, $3  }
0x3a: {  	_ = 	snop  }
0x3b: {  	_ = 	snop  }
0x3c: {  	p2 =	seq.s32 s10, $0x1;
	s10 =	sld [smem:$0x3FB3]  }
0x3d: {  	_ =	shalt  }
0x3e: {  	_ =	shalt  }
0x3f: {  	_ =	shalt  }
0x40: {  	_ =	shalt  }
0x41: {  	_ =	shalt  }
0x42: {  	_ =	shalt  }
0x43: {  	_ =	shalt  }
0x44: {  	_ =	shalt  }
0x45: {  	_ =	shalt  }
0x46: {  	_ =	shalt  }
0x47: {  	_ =	shalt  }
0x48: {  	_ =	shalt  }
0x49: {  	_ =	shalt  }
0x4a: {  	_ =	shalt  }
0x4b: {  	_ =	shalt  }
0x4c: {  	_ =	shalt  }
0x4d: {  	_ =	shalt  }
0x4e: {  	_ =	shalt  }
0x4f: {  	_ =	shalt  }
0x50: {  	_ =	shalt  }
0x51: {  	_ =	shalt  }
0x52: {  	_ =	shalt  }
0x53: {  	_ =	shalt  }
0x54: {  	_ =	shalt  }
0x55: {  	_ =	shalt  }
0x56: {  	_ =	shalt  }
0x57: {  	_ =	shalt  }
0x58: {  	_ =	shalt  }
0x59: {  	_ =	shalt  }
0x5a: {  	_ =	shalt  }
0x5b: {  	_ =	shalt  }
0x5c: {  	_ =	shalt  }
0x5d: {  	_ =	shalt  }
0x5e: {  	_ =	shalt  }
0x5f: {  	_ =	shalt  }
0x60: {  	_ =	shalt  }
0x61: {  	_ =	shalt  }
0x62: {  	_ =	shalt  }
0x63: {  	_ =	shalt  }
0x64: {  	_ =	shalt  }
0x65: {  	_ =	shalt  }
0x66: {  	_ =	shalt  }
0x67: {  	_ =	shalt  }
0x68: {  	_ =	shalt  }
0x69: {  	_ =	shalt  }
0x6a: {  	_ =	shalt  }
0x6b: {  	_ =	shalt  }
0x6c: {  	_ =	shalt  }
0x6d: {  	_ =	shalt  }
0x6e: {  	_ =	shalt  }
0x6f: {  	_ =	shalt  }
0x70: {  	_ =	shalt  }
0x71: {  	_ =	shalt  }
0x72: {  	_ =	shalt  }
0x73: {  	_ =	shalt  }
0x74: {  	_ =	shalt  }
0x75: {  	_ =	shalt  }
0x76: {  	_ =	shalt  }
0x77: {  	_ =	shalt  }
0x78: {  	_ =	shalt  }
0x79: {  	_ =	shalt  }
0x7a: {  	_ =	shalt  }
0x7b: {  	_ =	shalt  }
0x7c: {  	_ =	shalt  }
0x7d: {  	_ =	shalt  }
0x7e: {  	_ =	shalt  }
0x7f: {  	_ =	shalt  }
0x80: {  	_ =	shalt  }
0x81: {  	_ =	shalt  }
0x82: {  	_ =	shalt  }
0x83: {  	_ =	shalt  }
0x84: {  	_ =	shalt  }
0x85: {  	_ =	shalt  }
0x86: {  	_ =	shalt  }
0x87: {  	_ =	shalt  }
.Lfunc_end0:
.L_simem_size_0:
called_computation_lowered:
.L_overlay_start_0:
0x88: {  	s2 =	sld [smem:$0x3FD9]  }
0x89: {  	s3 =	sld [smem:$0x3FFE];
	_ =	sdelay $0x1  }
0x8a: {  	s1 =	srdreg.scid  }
0x8b: {  	s0 =	sand.u32 $0x1, s1  }
0x8c: {  	s17 =	sshll.u32 s0, $0xA;
	s2 =	sadd.s32 s3, s2  }
0x8d: {  	s2 =	sadd.s32 s2, s17  }
0x8e: {  	[smem:$0x3FBF] =	sst s2  }
0x8f: {  	_ = 	snop  }
0x90: {  	s2 =	sld [smem:$0x3FD0];
	(tm) =	ssettm $0x1  }
0x91: {  	s18 =	sld [smem:$0x3FFB];
	_ =	sdelay $0x3  }
0x92: {  	_ =	strace s18  }
0x93: {  	s3 =	sld [smem:$0x3FFC];
	_ =	sdelay $0x3  }
0x94: {  	_ =	strace s3  }
0x95: {  	s3 =	sld [smem:$0x3FFD];
	_ =	sdelay $0x3  }
0x96: {  	_ =	strace s3  }
0x97: {  	_ =	strace $0x8FFFFFFF  }
0x98: {  	s19 =	sld [smem:$0x3FDB];
	_ =	sdelay $0x1  }
0x99: {  	s4 =	simm.s32 $_scs_section_size  }
0x9a: {  	s5 =	simm.s32 $_size__tile_overlayer_lowered;
	s6 =	simm.s32 $_tile_overlayer_lowered  }
0x9b: {  	s22 =	simm.s32 $0x1BFF;
	s21 =	sshll.u32 s6, $0x1;
	s3 =	sadd.s32 s4, s19  }
0x9c: {  	s7 =	simm.s32 $0x0;
	s20 =	sshll.u32 s5, $0x1;
	s5 =	sadd.s32 s21, s3  }
0x9d: {  	[timem:s7], [sflag:s22] =	dma.local [hbm:s5], s20  }
0x9e: {  	_ =	swait.ge [sflag:s22], s20  }
0x9f: {  	s4 =	ssub.s32 $0x0, s20;
	[sflag:s22] =	ssyncset.done $0x0  }
0xa0: {  	[sflag:s22] =	ssyncadd.s32 s4;
	_ =	sdelay $0x1  }
0xa1: {  	s23 =	simm.s32 $0x1B8B  }
0xa2: {  	_ =	swait.ge [sflag:s23], $0x1  }
0xa3: {  	[sflag:s23] =	ssyncset.done $0x0  }
0xa4: {  	s25 =	simm.s32 $0x1B8E;
	s24 =	sld [smem:$0x3FFE];
	[sflag:s23] =	ssyncadd.s32 $0xFFFFFFFF  }
0xa5: {  	s26 =	simm.s32 $execute0_lowered;
	[smem:$0x3FD2] =	sst s25  }
0xa6: {  	s5 =	sshll.u32 s26, $0x1;
	_ =	strace $0x80000046;
	[dreg:$0x1] =	wrdreg $0xFFFFFFFF  }
0xa7: {  	s28 =	simm.s32 $_size_execute0_lowered;
	s3 =	sadd.s32 s3, s5;
	[dreg:$0x0] =	wrdreg $0x0  }
0xa8: {  	s5 =	sshll.u32 s28, $0x1;
	[dreg:$0x2] =	wrdreg s3  }
0xa9: {  	[dreg:$0x3] =	wrdreg s5  }
0xaa: {  	[dreg:$0x4] =	wrdreg $0xC0  }
0xab: {  	_ =	task [dreg:s7], $0x5FFFF  }
0xac: {  	[dreg:$0x1] =	wrdreg $0xFFFFFFFF  }
0xad: {  	[dreg:$0x0] =	wrdreg $0x60  }
0xae: {  	[dreg:$0x2] =	wrdreg s24  }
0xaf: {  	[dreg:$0x3] =	wrdreg s2  }
0xb0: {  	[dreg:$0x4] =	wrdreg $0xC0000  }
0xb1: {  	[dreg:$0x5] =	wrdreg $0x9  }
0xb2: {  	_ =	task.clear_ibuf [dreg:s7], $0x6FFFF;
	_ =	strace $0x90000046  }
0xb3: {  	s29 =	simm.s32 $0x9;
	_ =	strace $0x80000048  }
0xb4: {  	_ =	swait.ge [sflag:s29], $0x1  }
0xb5: {  	[sflag:s29] =	ssyncadd.s32 $0xFFFFFFFF  }
0xb6: {  	_ =	strace $0x90000048  }
0xb7: {  	_ =	sfence  }
0xb8: {  	s30 =	sld [smem:$0x0];
	_ =	sdelay $0x2  }
0xb9: {  	s31 =	sshll.u32 s1, $0xD;
	s1 =	sshrl.u32 s1, $0x2  }
0xba: {  	s3 =	sand.u32 $0x4000, s31;
	s1 =	sadd.s32 s1, s30  }
0xbb: {  	s0 =	sor.u32 s3, s0;
	s1 =	sshll.u32 s1, $0x11  }
0xbc: {  	s0 =	sor.u32 s1, s0  }
0xbd: {  	s0 =	sadd.s32 $0x8F2B, s0  }
0xbe: {  	[sflag:s0] =	ssyncadd.remote.s32 $0x1  }
0xbf: {  	_ =	sfence.sel $0xFFFF  }
0xc0: {  	[dreg:$0x0] =	wrdreg $0xFFFFFFFF;
	(pc) =	sbr.abs _section_cstart, $3  }
0xc1: {  	[dreg:$0x1] =	wrdreg $0xFFFFFFFF  }
0xc2: {  	_ =	task.clear_ibuf [dreg:s7], $0x2FFFF;
	_ =	strace $0x9FFFFFFF  }
0xc3: {  	(tm) =	ssettm $0x7FFFFFFF  }
tec
execute0_lowered:
.L_overlay_start_1:
0x0: {  	(tag) =	ssettag $0x1  }
0x1: {  	s0 =	rddreg [dreg:$0x0]  }
0x2: {  	s1 =	rddreg [dreg:$0x1]  }
0x3: {  	s2 =	rddreg [dreg:$0x2];
	s4 =	simm.s32 $0x0  }
0x4: {  	s3 =	srdreg.scid;
	s20 =	stileid.u32;
	s14 =	simm.s32 $0xB  }
0x5: {  	s16 =	simm.s32 $0x50;
	s17 =	simm.s32 $0x2;
	s28 =	simm.s32 $0x6  }
0x6: {  	s29 =	simm.s32 $0x7;
	s30 =	simm.s32 $0x8;
	s31 =	simm.s32 $0x0  }
0x7: {  	[smem:$0x7FF] =	sst s4;
	s3 =	sand.u32 $0x1, s3;
	s7 =	smul.u32 $0x13C00, s20  }
0x8: {  	s5 =	sadd.s32 $0x11400, s0;
	s21 =	sadd.s32 $0xAD800, s0;
	s10 =	smul.u32 $0x4F000, s20  }
0x9: {  	s11 =	sshll.u32 s20, $0xF;
	s23 =	sshll.u32 s20, $0x6;
	s20 =	simm.s32 $0x3  }
0xa: {  	s6 =	smul.u32 $0x13C000, s3;
	_ =	strace $0x80000047;
	[dreg:$0x4] =	wrdreg s5  }
0xb: {  	s5 =	sadd.s32 $0x1400, s0;
	s8 =	ssub.s32 $0x2, s3;
	[dreg:$0x5] =	wrdreg s21  }
0xc: {  	s3 =	sshll.u32 s3, $0xE;
	s9 =	sshrl.u32 s8, $0x1;
	s7 =	sadd.s32 s7, s6  }
0xd: {  	s22 =	sshrl.u32 s10, $0x2;
	s12 =	ssub.s32 s8, s9;
	s7 =	sshrl.u32 s7, $0x3  }
0xe: {  	s8 =	sor.u32 $0x1C0B, s23;
	s0 =	sadd.s32 s7, s0;
	s7 =	sor.u32 s3, s11  }
0xf: {  	s23 =	simm.s32 $0x4;
	s24 =	sshrl.u32 s7, $0x3;
	s0 =	sadd.s32 $0xB0000, s0  }
0x10: {  	s12 =	smax.u32 s12, $0x1;
	s25 =	sadd.s32 s1, s24;
	[dreg:$0x8] =	wrdreg s0  }
0x11: {  	s3 =	sadd.s32 s22, s2;
	s26 =	sadd.s32 s5, s24;
	[dreg:$0x6] =	wrdreg s25  }
0x12: {  	s13 =	sshrl.u32 s3, $0x3;
	[dreg:$0x7] =	wrdreg s26;
	s26 =	simm.s32 $0x5  }
.LBB2_1:
0x13: {  	s0 =	rddreg [dreg:$0x5]  }
0x14: {  	[spmem:s13], [sflag:s8] =	dma.local [hbm:s0], $0x2780  }
0x15: {  	_ =	swait.ge [sflag:s14], $0x2780  }
0x16: {  	[sflag:s14] =	ssyncset.done $0x0  }
0x17: {  	[sflag:s14] =	ssyncadd.s32 $0xFFFFD880  }
0x18: {  	[bflag:$0x0] =	sbarrier.arrive $0xFFFF  }
0x19: {  	s6 =	simm.s32 $0x0;
	s10 =	simm.s32 $0x0;
	s3 =	rddreg [dreg:$0x6]  }
0x1a: {  	[tilespmem:s6], [sflag:$0x9] =	stream.linear.gather [hbm4b:s3+s6], $0x400, $0x38;
	[tilespmem:$0x1FC00] =	vst v63  }
0x1b: {  	s3 =	sand.u32 $0x7, s10  }
0x1c: {  	s4 =	simm.s32 $0x1000;
	s9 =	rddreg [dreg:$0x7];
	p1 =	sne.s32 s3, $0x0  }
0x1d: {  	[tilespmem:s4], [sflag:$0xA] =	stream.linear.gather [hbm4b:s9+s6], $0x400, $0x38;
	[tilespmem:$0x1FC00] =	vst v63  }
0x1e: {  	s18 =	simm.s32 $0xFFFFFA00;
	s15 =	simm.s32 @!p1 $0x9  }
0x1f: {  	s19 =	simm.s32 $0xFFFFFFFD;
	p0 =	por $0x0, $0x0;
	_ =	swait.ge @!p1 [sflag:s15], $0x400  }
0x20: {  	s11 =	simm.s32 $0x0;
	s21 =	sand.u32 $0x3, s10;
	[sflag:s15] =	ssyncset.done @!p1 $0x0  }
0x21: {  	p2 =	sne.s32 @!p0 s3, $0x0;
	[sflag:s15] =	ssyncadd.s32 @!p1 $0xFFFFFC00;
	s15 =	simm.s32 @!p1 $0xA  }
0x22: {  	p0 =	por p2, p0;
	p2 =	por $0x1, $0x1;
	_ =	swait.ge @!p1 [sflag:s15], $0x400  }
0x23: {  	s0 =	sand.u32 @!p2 $0x3, s19;
	s18 =	sand.u32 @!p2 $0x3E00, s18;
	[sflag:s15] =	ssyncset.done @!p1 $0x0  }
0x24: {  	s19 =	sadd.s32 @!p2 $0x1, s0;
	[sflag:s15] =	ssyncadd.s32 @!p1 $0xFFFFFC00;
	s15 =	smul.u32 @!p2 $0xA000, s0  }
0x25: {  	s24 =	simm.s32 @!p2 $0x50;
	s18 =	sshrl.u32 @!p2 s18, $0x2;
	_ =	swait.ge @!p2 [sflag:s19], $0x2800  }
0x26: {  	s18 =	sor.u32 @!p2 $0x1000, s18;
	s15 =	sshrl.u32 @!p2 s15, $0x2;
	[sflag:s19] =	ssyncset.done @!p2 $0x0  }
0x27: {  	s0 =	sadd.s32 @!p2 $0x5, s0;
	s15 =	sadd.s32 @!p2 $0x2000, s15;
	[sflag:s19] =	ssyncadd.s32 @!p2 $0xFFFFD800  }
0x28: {  	[spmem:s2] =	stream.indirect.scatter.add.f32 @!p2 [tilespmem:s15], [sflag:s0], $0x80, s18, s24, $0xb8;
	[tilespmem:$0x1FC00] =	vst v63  }
0x29: {  	s22 =	smul.u32 $0xA000, s21;
	s3 =	sshll.u32 s3, $0x7;
	s15 =	sadd.s32 @!p0 $0x400, s7  }
0x2a: {  	s0 =	simm.s32 $0xFFFFFFFE;
	s18 =	simm.s32 @!p0 $0x400;
	s15 =	sshrl.u32 @!p0 s15, $0x3  }
0x2b: {  	s24 =	simm.s32 @!p0 $0x0;
	s18 =	sand.u32 @!p0 $0xC00, s18;
	s25 =	sadd.s32 @!p0 s1, s15  }
0x2c: {  	[tilespmem:s18], [sflag:$0x9] =	stream.linear.gather @!p0 [hbm4b:s25+s24], $0x400, $0x38;
	[tilespmem:$0x1FC00] =	vst v63  }
0x2d: {  	p2 =	por $0x1, $0x1;
	s15 =	sadd.s32 @!p0 s5, s15;
	s18 =	sor.u32 @!p0 $0x1000, s18  }
0x2e: {  	[tilespmem:s18], [sflag:$0xA] =	stream.linear.gather @!p0 [hbm4b:s15+s24], $0x400, $0x38;
	[tilespmem:$0x1FC00] =	vst v63  }
0x2f: {  	s25 =	sadd.s32 @!p2 $0x5, s21;
	s18 =	sshrl.u32 s22, $0x2;
	s22 =	sand.u32 $0xC00, s11  }
0x30: {  	s24 =	sadd.s32 $0x1, s21;
	s15 =	simm.s32 $0xFFFFFC00;
	_ =	swait.ge @!p2 [sflag:s25], $0x2800  }
.LBB2_2:
0x31: {  	[sflag:s25] =	ssyncset.done @!p2 $0x0  }
0x32: {  	s18 =	sadd.s32 $0x2000, s18;
	s4 =	rddreg [dreg:$0x4];
	s6 =	smov.u32 s0  }
0x33: {  	s21 =	sadd.s32 $0x3, s0;
	s3 =	sor.u32 s3, s22;
	s0 =	sadd.s32 $0x1, s0  }
0x34: {  	[sflag:s25] =	ssyncadd.s32 @!p2 $0xFFFFD800;
	s22 =	sand.u32 $0x7, s21;
	p1 =	sgt.u32 s21, $0x77  }
0x35: {  	[tilespmem:s18], [sflag:s24] =	stream.indirect.gather [hbm4b:s4+s16], $0x80, s3, s16, $0xb8;
	[tilespmem:$0x1FC00] =	vst v63  }
0x36: {  	s19 =	sand.u32 $0x3, s21;
	p2 =	sne.s32 s22, $0x0;
	p3 =	sne.s32 @!p1 s22, $0x0  }
0x37: {  	s25 =	smul.u32 $0xA000, s19;
	s3 =	sshll.u32 s22, $0x7;
	s24 =	simm.s32 @!p2 $0x9  }
0x38: {  	s4 =	sshrl.u32 s21, $0x3;
	p1 =	por p3, p1;
	_ =	swait.ge @!p2 [sflag:s24], $0x400  }
0x39: {  	s22 =	simm.s32 @!p2 $0xA;
	p3 =	slt.u32 s21, $0x3;
	[sflag:s24] =	ssyncset.done @!p2 $0x0  }
0x3a: {  	s18 =	sshrl.u32 s25, $0x2;
	s6 =	sand.u32 @!p3 $0x3, s6;
	[sflag:s24] =	ssyncadd.s32 @!p2 $0xFFFFFC00  }
0x3b: {  	s25 =	simm.s32 @!p3 $0x50;
	s9 =	sand.u32 @!p3 $0x3E00, s15;
	_ =	swait.ge @!p2 [sflag:s22], $0x400  }
0x3c: {  	s10 =	sadd.s32 @!p3 $0x1, s6;
	s9 =	sshrl.u32 @!p3 s9, $0x2;
	[sflag:s22] =	ssyncset.done @!p2 $0x0  }
0x3d: {  	s24 =	sshll.u32 s4, $0xA;
	[sflag:s22] =	ssyncadd.s32 @!p2 $0xFFFFFC00;
	s22 =	smul.u32 @!p3 $0xA000, s6  }
0x3e: {  	s9 =	sor.u32 @!p3 $0x1000, s9;
	s4 =	sshll.u32 @!p1 s4, $0xA;
	_ =	swait.ge @!p3 [sflag:s10], $0x2800  }
0x3f: {  	s4 =	sadd.s32 @!p1 $0x400, s4;
	s22 =	sshrl.u32 @!p3 s22, $0x2;
	[sflag:s10] =	ssyncset.done @!p3 $0x0  }
0x40: {  	s6 =	sadd.s32 @!p3 $0x5, s6;
	s11 =	sadd.s32 @!p3 $0x2000, s22;
	[sflag:s10] =	ssyncadd.s32 @!p3 $0xFFFFD800  }
0x41: {  	[spmem:s2] =	stream.indirect.scatter.add.f32 @!p3 [tilespmem:s11], [sflag:s6], $0x80, s9, s25, $0xb8;
	[tilespmem:$0x1FC00] =	vst v63  }
0x42: {  	p0 =	sne.s32 s0, $0x7D;
	s15 =	sadd.s32 $0x200, s15;
	s6 =	sadd.s32 @!p1 s7, s4  }
0x43: {  	p2 =	slt.u32 s21, $0x4;
	s4 =	sand.u32 @!p1 $0xC00, s4;
	s6 =	sshrl.u32 @!p1 s6, $0x3  }
.Ltmp0:
0x44: {  	s9 =	simm.s32 @!p1 $0x0;
	s11 =	sadd.s32 @!p1 s1, s6;
	(pc) =	sbr.rel @p0 .LBB2_2-.Ltmp0, $4  }
0x45: {  	[tilespmem:s4], [sflag:$0x9] =	stream.linear.gather @!p1 [hbm4b:s11+s9], $0x400, $0x38;
	[tilespmem:$0x1FC00] =	vst v63  }
0x46: {  	s25 =	sadd.s32 @!p2 $0x5, s19;
	s10 =	sor.u32 @!p1 $0x1000, s4;
	s6 =	sadd.s32 @!p1 s5, s6  }
0x47: {  	[tilespmem:s10], [sflag:$0xA] =	stream.linear.gather @!p1 [hbm4b:s6+s9], $0x400, $0x38;
	[tilespmem:$0x1FC00] =	vst v63  }
0x48: {  	s22 =	sand.u32 $0xC00, s24;
	s24 =	sadd.s32 $0x1, s19;
	_ =	swait.ge @!p2 [sflag:s25], $0x2800  }
0x49: {  	s0 =	rddreg [dreg:$0x4];
	[sflag:s25] =	ssyncset.done @!p2 $0x0  }
0x4a: {  	s3 =	sor.u32 s3, s22;
	s4 =	sadd.s32 $0x2000, s18;
	[sflag:s25] =	ssyncadd.s32 @!p2 $0xFFFFD800  }
0x4b: {  	[tilespmem:s4], [sflag:s24] =	stream.indirect.gather [hbm4b:s0+s16], $0x80, s3, s16, $0xb8;
	[tilespmem:$0x1FC00] =	vst v63  }
0x4c: {  	_ =	swait.ge [sflag:s17], $0x2800  }
0x4d: {  	[sflag:s17] =	ssyncset.done $0x0  }
0x4e: {  	s15 =	simm.s32 $0x1E80;
	s18 =	simm.s32 $0x4800;
	[sflag:s17] =	ssyncadd.s32 $0xFFFFD800  }
0x4f: {  	[spmem:s2] =	stream.indirect.scatter.add.f32 [tilespmem:s18], [sflag:$0x6], $0x80, s15, s16, $0xb8;
	[tilespmem:$0x1FC00] =	vst v63  }
0x50: {  	_ =	swait.ge [sflag:s20], $0x2800  }
0x51: {  	[sflag:s20] =	ssyncset.done $0x0  }
0x52: {  	s19 =	simm.s32 $0x1F00;
	s21 =	simm.s32 $0x7000;
	[sflag:s20] =	ssyncadd.s32 $0xFFFFD800  }
0x53: {  	[spmem:s2] =	stream.indirect.scatter.add.f32 [tilespmem:s21], [sflag:$0x7], $0x80, s19, s16, $0xb8;
	[tilespmem:$0x1FC00] =	vst v63  }
0x54: {  	_ =	swait.ge [sflag:s23], $0x2800  }
0x55: {  	[sflag:s23] =	ssyncset.done $0x0  }
0x56: {  	s22 =	simm.s32 $0x1F80;
	s24 =	simm.s32 $0x9800;
	[sflag:s23] =	ssyncadd.s32 $0xFFFFD800  }
0x57: {  	[spmem:s2] =	stream.indirect.scatter.add.f32 [tilespmem:s24], [sflag:$0x8], $0x80, s22, s16, $0xb8;
	[tilespmem:$0x1FC00] =	vst v63  }
0x58: {  	_ =	swait.ge [sflag:s26], $0x2800  }
0x59: {  	[sflag:s26] =	ssyncset.done $0x0  }
0x5a: {  	[sflag:s26] =	ssyncadd.s32 $0xFFFFD800  }
0x5b: {  	_ =	swait.ge [sflag:s28], $0x2800  }
0x5c: {  	[sflag:s28] =	ssyncset.done $0x0  }
0x5d: {  	[sflag:s28] =	ssyncadd.s32 $0xFFFFD800  }
0x5e: {  	_ =	swait.ge [sflag:s29], $0x2800  }
0x5f: {  	[sflag:s29] =	ssyncset.done $0x0  }
0x60: {  	[sflag:s29] =	ssyncadd.s32 $0xFFFFD800  }
0x61: {  	_ =	swait.ge [sflag:s30], $0x2800  }
0x62: {  	[sflag:s30] =	ssyncset.done $0x0  }
0x63: {  	s31 =	sadd.s32 $0x1, s31;
	[sflag:s30] =	ssyncadd.s32 $0xFFFFD800  }
0x64: {  	p0 =	sne.s32 s31, s12;
	[bflag:$0x0] =	sbarrier.arrive $0xFFFF  }
.Ltmp1:
0x65: {  	s25 =	rddreg [dreg:$0x8];
	(pc) =	sbr.rel @p0 .LBB2_1-.Ltmp1, $4  }
0x66: {  	[hbm:s25], [sflag:s8] =	dma.local [spmem:s13], $0x2780  }
0x67: {  	_ =	swait.ge [sflag:s14], $0x2780  }
0x68: {  	[sflag:s14] =	ssyncset.done $0x0  }
0x69: {  	[sflag:s14] =	ssyncadd.s32 $0xFFFFD880  }
0x6a: {  	_ =	sfence.sel $0x180000  }
0x6b: {  	[bflag:$0x0] =	sbarrier.arrive $0xFFFF  }
0x6c: {  	_ =	strace $0x90000047  }
0x6d: {  	s0 =	stileid.u32;
	[bflag:$0x2] =	sbarrier.arrive $0xFFFF  }
0x6e: {  	p0 =	sne.s32 s0, $0x0;
	s0 =	rddreg [dreg:$0x3]  }
0x6f: {  	s0 =	sadd.s32 @!p0 $0x100000, s0  }
0x70: {  	[sflag:s0] =	ssyncadd.tile.s32 @!p0 $0x1;
	_ =	shalt  }
.Lfunc_end2:
_tile_overlayer_lowered:
.L_overlay_start_2:
0x71: {  	(tag) =	ssettag $0x2  }
0x72: {  	s0 =	rddreg [dreg:$0x0];
	s2 =	stileid.u32  }
0x73: {  	s1 =	rddreg [dreg:$0x1];
	p0 =	sne.s32 s2, $0x0  }
0x74: {  	s3 =	rddreg [dreg:$0x2];
	[bflag:$0x3] =	sbarrier.arrive $0xFFFF;
	s2 =	simm.s32 @!p0 $0x1C0B  }
0x75: {  	[timem:s3], [sflag:s2] =	dma.local @!p0 [hbm:s0], s1  }
0x76: {  	s0 =	simm.s32 @!p0 $0xB  }
0x77: {  	_ =	swait.ge @!p0 [sflag:s0], s1  }
0x78: {  	s1 =	ssub.s32 @!p0 $0x0, s1;
	[sflag:s0] =	ssyncset.done @!p0 $0x0  }
0x79: {  	[sflag:s0] =	ssyncadd.s32 @!p0 s1  }
0x7a: {  	[bflag:$0x3] =	sbarrier.arrive $0xFFFF  }
0x7b: {  	_ =	shalt  }

</sc_bundles>
